<compile_context>
chip_gen: v7x
topology: tpu7x:2x2x1
jax: 0.10.2.dev20260603
libtpu: 0.0.44.dev20260713+nightly
codegen_flags: <defaults>
</compile_context>

<pallas_src>
import functools

import jax
import jax.numpy as jnp
from jax import lax
from jax.experimental import pallas as pl
from jax.experimental.pallas import tpu as pltpu
from jax.experimental.pallas import tpu_sc as plsc

B, N = 1, 6
C, H, W = 64, 32, 88
GH, GW = 128, 128
K = GH * GW
NGP = 9
IMG_H, IMG_W = 256.0, 704.0
EPS = 1e-05
BEV_Z = -1.0

NC, NS = 2, 16
CPC = N // NC
TAB_ROWS = CPC * H * W
STAGE_ROWS = TAB_ROWS // NS
PPT = K // NS
P_CHUNK = 256
SUB = 128
NSUB = P_CHUNK // SUB
N_UNITS = CPC * NGP
CPU_ = PPT // P_CHUNK
N_CHUNKS = N_UNITS * CPU_
IDX_ROWS = N_CHUNKS * NSUB
NBUF = 3
STEADY = (N_CHUNKS - NBUF) // NBUF


def _tc_index_body(i_ref, e_ref, p_ref, img_ref, inds_ref, mask_ref, tab_ref):
    n = pl.program_id(0)
    tab_ref[0] = img_ref[0].T
    p2i = jnp.matmul(i_ref[0], e_ref[0])
    sp = lax.dot_general(p2i, p_ref[...], (((1,), (1,)), ((), ())))
    sx, sy, sz = sp[0:1], sp[1:2], sp[2:3]

    zed = jnp.maximum(sz, EPS)
    xn = sx / zed / IMG_W
    yn = sy / zed / IMG_H
    mask_ref[0] = ((sz > EPS)
                   & (xn > 0.0) & (xn < 1.0)
                   & (yn > 0.0) & (yn < 1.0))

    u = jnp.round(xn * float(W))
    v = jnp.round(yn * float(H))
    cam_off = (lax.rem(n, CPC) * (H * W)).astype(jnp.float32)
    for g in range(NGP):
        dx = float(g % 3 - 1)
        dy = float(g // 3 - 1)
        xi = jnp.clip(u + dx, 0.0, float(W - 1))
        yi = jnp.clip(v + dy, 0.0, float(H - 1))
        ind = xi + yi * float(W) + cam_off
        inds_ref[0, :, 0, g] = ind.astype(jnp.int32).reshape(NS, CPU_ * NSUB, SUB)


def _tc_indices(intrin, e_mats, pts4, images):
    return pl.pallas_call(
        _tc_index_body,
        grid=(N,),
        in_specs=[
            pl.BlockSpec((1, 4, 4), lambda n: (n, 0, 0)),
            pl.BlockSpec((1, 4, 4), lambda n: (n, 0, 0)),
            pl.BlockSpec((K, 4), lambda n: (0, 0)),
            pl.BlockSpec((1, C, H * W), lambda n: (n, 0, 0)),
        ],
        out_specs=[
            pl.BlockSpec((1, NS, 1, NGP, CPU_ * NSUB, SUB),
                         lambda n: (n // CPC, 0, n % CPC, 0, 0, 0)),
            pl.BlockSpec((1, 1, K), lambda n: (n, 0, 0)),
            pl.BlockSpec((1, H * W, C), lambda n: (n, 0, 0)),
        ],
        out_shape=[
            jax.ShapeDtypeStruct((NC, NS, CPC, NGP, CPU_ * NSUB, SUB),
                                 jnp.int32),
            jax.ShapeDtypeStruct((N, 1, K), jnp.bool_),
            jax.ShapeDtypeStruct((N, H * W, C), jnp.float32),
        ],
    )(intrin, e_mats, pts4, images)


def _sc_gather_body(tab_hbm, inds_hbm, out_hbm,
                    tab_sp, idx_v, b0, b1, b2, g0, g1, g2, w0, w1, w2):
    cid = lax.axis_index("c")
    sid = lax.axis_index("s")
    bufs = (b0, b1, b2)
    gsems = (g0, g1, g2)
    wsems = (w0, w1, w2)

    pltpu.sync_copy(
        tab_hbm.at[pl.ds(cid * TAB_ROWS + sid * STAGE_ROWS, STAGE_ROWS)],
        tab_sp.at[pl.ds(sid * STAGE_ROWS, STAGE_ROWS)])
    pltpu.sync_copy(inds_hbm.at[cid, sid], idx_v)
    plsc.subcore_barrier()

    def fire_gather(t, nb):
        for j in range(NSUB):
            pltpu.async_copy(tab_sp.at[idx_v.at[t * NSUB + j]],
                             bufs[nb].at[pl.ds(j * SUB, SUB)], gsems[nb])

    def drain(sem, buf):
        pltpu.make_async_copy(tab_hbm.at[pl.ds(0, P_CHUNK)], buf, sem).wait()

    def issue_scatter(t, nb):
        drain(gsems[nb], bufs[nb])
        cam = t // (NGP * CPU_)
        rem = lax.rem(t, NGP * CPU_)
        g = rem // CPU_
        sub = lax.rem(rem, CPU_)
        p0 = sid * PPT + sub * P_CHUNK
        pltpu.async_copy(
            bufs[nb],
            out_hbm.at[0, cid * CPC + cam, pl.ds(p0, P_CHUNK), g],
            wsems[nb])

    for nb in range(NBUF):
        fire_gather(nb, nb)

    @pl.loop(0, STEADY)
    def _steady(o):
        for nb in range(NBUF):
            issue_scatter(o * NBUF + nb, nb)
        for nb in range(NBUF):
            drain(wsems[nb], bufs[nb])
            fire_gather(o * NBUF + nb + NBUF, nb)

    for nb in range(NBUF):
        issue_scatter(N_CHUNKS - NBUF + nb, nb)
    for nb in range(NBUF):
        drain(wsems[nb], bufs[nb])


def _sc_gather(imtab, inds):
    call = pl.kernel(
        _sc_gather_body,
        out_type=jax.ShapeDtypeStruct((B, N, K, NGP, C), jnp.float32),
        mesh=plsc.VectorSubcoreMesh(core_axis_name="c", subcore_axis_name="s",
                                    num_cores=NC, num_subcores=NS),
        scratch_types=[
            pltpu.VMEM_SHARED((TAB_ROWS, C), jnp.float32),
            pltpu.VMEM((IDX_ROWS, SUB), jnp.int32),
            pltpu.VMEM((P_CHUNK, C), jnp.float32),
            pltpu.VMEM((P_CHUNK, C), jnp.float32),
            pltpu.VMEM((P_CHUNK, C), jnp.float32),
            pltpu.SemaphoreType.DMA,
            pltpu.SemaphoreType.DMA,
            pltpu.SemaphoreType.DMA,
            pltpu.SemaphoreType.DMA,
            pltpu.SemaphoreType.DMA,
            pltpu.SemaphoreType.DMA,
        ],
        compiler_params=pltpu.CompilerParams(use_tc_tiling_on_sc=False),
    )
    return call(imtab, inds)


def kernel(bev_grids, images, I, E):
    intrin = jnp.pad(I, ((0, 0), (0, 0), (0, 1), (0, 1)))
    intrin = intrin.at[..., 3, 3].set(1.0)
    xc = bev_grids[0].reshape(K, 1)
    yc = bev_grids[1].reshape(K, 1)
    pts4 = jnp.concatenate(
        [xc, yc, jnp.full_like(xc, BEV_Z), jnp.ones_like(xc)], axis=1)
    inds, mask, imtab = _tc_indices(intrin[0], E.reshape(N, 4, 4), pts4,
                                    images.reshape(N, C, H * W))
    idx_w = inds.reshape(NC, NS, IDX_ROWS, SUB)
    feats = _sc_gather(imtab.reshape(N * H * W, C), idx_w)
    return feats, mask.reshape(B, N, K, 1)

# --- scband reference (transcript-rebuilt; emitter-appended) ---
"""Pipeline reference for scband-index-bevprojector-481036337894 (READ-ONLY COPY).

The authoritative reference and input builder live on the scoring server;
editing this copy changes nothing except your own understanding.
"""

import jax, jax.numpy as jnp
import numpy as np

IMAGE_SIZE = (256, 704)
GRID_SIZE = (3, 3)
BEV_HEIGHT = -1.0


def _grid_offsets():
    gh, gw = GRID_SIZE
    y = jnp.arange(gh) - gh // 2
    x = jnp.arange(gw) - gw // 2
    X, Y = jnp.meshgrid(x, y, indexing='xy')
    return jnp.stack([X, Y], axis=-1)  # (gh, gw, 2), last dim = (x, y)


def bev2image_sampling(points, I, E, height, width):
    # points: (k, 3); I: (b, n, 3, 3); E: (b, n, 4, 4)
    points = jnp.concatenate([points, jnp.ones_like(points[..., :1])], axis=-1)  # (k, 4)
    intrin = jnp.pad(I, ((0, 0), (0, 0), (0, 1), (0, 1)))
    intrin = intrin.at[..., 3, 3].set(1.0)
    p2i = jnp.matmul(intrin, E)  # (b, n, 4, 4)
    sp = jnp.einsum('bnij,kj->bnki', p2i, points)  # (b, n, k, 4)
    eps = 1e-05
    mask = sp[..., 2:3] > eps
    xy = sp[..., 0:2] / jnp.maximum(sp[..., 2:3], eps)
    xy = xy / jnp.array([width, height], dtype=xy.dtype)
    mask = mask & (xy[..., 0:1] > 0.0) & (xy[..., 0:1] < 1.0) & (xy[..., 1:2] > 0.0) & (xy[..., 1:2] < 1.0)
    return xy, mask


def setup_inputs(seed: int = 0):
    key = jax.random.key(seed)
    k1, k2, k3, k4 = jax.random.split(key, 4)
    bev_grids = jax.random.normal(k1, (3, 128, 128), dtype=jnp.float32)
    images = jax.random.normal(k2, (6, 64, 32, 88), dtype=jnp.float32)
    I = jax.random.uniform(k3, (1, 6, 3, 3), dtype=jnp.float32)
    E = jax.random.normal(k4, (1, 6, 4, 4), dtype=jnp.float32)
    return {"bev_grids": bev_grids, "images": images, "I": I, "E": E}


def reference(bev_grids, images, I, E):
    b, n = I.shape[:2]
    bn, c, h, w = images.shape
    bev_points = bev_grids.reshape(3, -1).T  # (k, 3)
    bev_points = bev_points.at[:, 2].set(BEV_HEIGHT)
    xy, mask = bev2image_sampling(bev_points, I, E, IMAGE_SIZE[0], IMAGE_SIZE[1])
    ngp = GRID_SIZE[0] * GRID_SIZE[1]
    xy = xy * jnp.array([w, h], dtype=xy.dtype)
    xy = jnp.clip(jnp.round(xy), -2.0 ** 31, 2.0 ** 31 - 1).astype(jnp.int64)
    offsets = _grid_offsets().reshape(1, 1, 1, ngp, 2).astype(jnp.int64)
    pts = xy[..., None, :] + offsets  # (b, n, k, ngp, 2)
    xi = jnp.clip(pts[..., 0], 0, w - 1)
    yi = jnp.clip(pts[..., 1], 0, h - 1)
    k = pts.shape[2]
    inds = (xi + yi * w).reshape(b * n, k * ngp)
    imflat = images.transpose(0, 2, 3, 1).reshape(bn * h * w, c)  # '(b h w) c'
    ind_off = (jnp.arange(b * n, dtype=jnp.int64) * (h * w)).reshape(b * n, 1)
    inds = (inds + ind_off).reshape(-1)
    feats = jnp.take(imflat, inds, axis=0).reshape(b, n, k, ngp, c)
    return feats, mask

if __name__ == "__main__":
    import jax
    _d = setup_inputs()
    print(jax.jit(kernel)(*tuple(_d.values())))

</pallas_src>

<mosaic_0001>
#map = affine_map<(d0, d1) -> (0, 0)>
#map1 = affine_map<(d0, d1) -> (0, 0, 0, 0)>
#map2 = affine_map<(d0, d1) -> (0, 0, 0, 0, 0)>
module attributes {stable_mosaic.version = 14 : i64} {
  func.func @_sc_gather_body(%arg0: i32, %arg1: i32, %arg2: memref<16896x64xf32, #tpu.memory_space<hbm>>, %arg3: memref<2x16x216x128xi32, #tpu.memory_space<hbm>>, %arg4: memref<1x6x16384x9x64xf32, #tpu.memory_space<hbm>>, %arg5: memref<8448x64xf32, #tpu.memory_space<vmem_shared>>, %arg6: memref<216x128xi32, #tpu.memory_space<vmem>>, %arg7: memref<256x64xf32, #tpu.memory_space<vmem>>, %arg8: memref<256x64xf32, #tpu.memory_space<vmem>>, %arg9: memref<256x64xf32, #tpu.memory_space<vmem>>, %arg10: memref<!tpu.dma_semaphore, #tpu.memory_space<semaphore_mem>>, %arg11: memref<!tpu.dma_semaphore, #tpu.memory_space<semaphore_mem>>, %arg12: memref<!tpu.dma_semaphore, #tpu.memory_space<semaphore_mem>>, %arg13: memref<!tpu.dma_semaphore, #tpu.memory_space<semaphore_mem>>, %arg14: memref<!tpu.dma_semaphore, #tpu.memory_space<semaphore_mem>>, %arg15: memref<!tpu.dma_semaphore, #tpu.memory_space<semaphore_mem>>) attributes {dimension_semantics = [#tpu.dimension_semantics<core_parallel>, #tpu.dimension_semantics<subcore_parallel>], iteration_bounds = array<i64: 2, 16>, scalar_prefetch = 0 : i64, scratch_operands = 11 : i64, tpu.core_type = #tpu.core_type<sc_vector_subcore>, window_params = [{transform_indices = #map}, {transform_indices = #map1}, {transform_indices = #map2}]} {
    %mul3A = arith.constant 8448 : i32
    %mul3A_0 = arith.muli %arg0, %mul3A : i32
    %mul3A_1 = arith.constant 528 : i32
    %mul3A_2 = arith.muli %arg1, %mul3A_1 : i32
    %add3A = arith.addi %mul3A_0, %mul3A_2 : i32
    %mul3A_3 = arith.constant 528 : i32
    %mul3A_4 = arith.muli %arg1, %mul3A_3 : i32
    "tpu.region"() ({
      %run_scoped3A = tpu.sem_alloc : memref<!tpu.dma_semaphore, #tpu.memory_space<semaphore_mem>>
      %dma_start3A_230 = arith.constant 0 : i32
      %dma_start3A_231 = tpu.memref_slice %arg5[%mul3A_4, %dma_start3A_230] : memref<8448x64xf32, #tpu.memory_space<vmem_shared>> -> memref<528x64xf32, #tpu.memory_space<vmem_shared>>
      %dma_start3A_232 = arith.constant 0 : i32
      %dma_start3A_233 = tpu.memref_slice %arg2[%add3A, %dma_start3A_232] : memref<16896x64xf32, #tpu.memory_space<hbm>> -> memref<528x64xf32, #tpu.memory_space<hbm>>
      tpu.enqueue_dma source(%dma_start3A_233 : memref<528x64xf32, #tpu.memory_space<hbm>>) target(%dma_start3A_231 : memref<528x64xf32, #tpu.memory_space<vmem_shared>>) target_semaphore(%run_scoped3A : memref<!tpu.dma_semaphore, #tpu.memory_space<semaphore_mem>>)
      %dma_wait3A_234 = arith.constant 0 : i32
      %dma_wait3A_235 = tpu.memref_slice %arg5[%mul3A_4, %dma_wait3A_234] : memref<8448x64xf32, #tpu.memory_space<vmem_shared>> -> memref<528x64xf32, #tpu.memory_space<vmem_shared>>
      %dma_wait3A_236 = arith.constant 0 : i32
      %dma_wait3A_237 = tpu.memref_slice %arg2[%add3A, %dma_wait3A_236] : memref<16896x64xf32, #tpu.memory_space<hbm>> -> memref<528x64xf32, #tpu.memory_space<hbm>>
      tpu.wait_dma2 semaphore(%run_scoped3A : memref<!tpu.dma_semaphore, #tpu.memory_space<semaphore_mem>>) src(%dma_wait3A_237 : memref<528x64xf32, #tpu.memory_space<hbm>>) dst(%dma_wait3A_235 : memref<528x64xf32, #tpu.memory_space<vmem_shared>>)
      tpu.yield
    }) : () -> ()
    "tpu.region"() ({
      %run_scoped3A = tpu.sem_alloc : memref<!tpu.dma_semaphore, #tpu.memory_space<semaphore_mem>>
      %dma_start3A_230 = arith.constant 0 : i32
      %dma_start3A_231 = arith.constant 0 : i32
      %dma_start3A_232 = tpu.memref_slice %arg3[%arg0, %arg1, %dma_start3A_230, %dma_start3A_231] : memref<2x16x216x128xi32, #tpu.memory_space<hbm>> -> memref<1x1x216x128xi32, #tpu.memory_space<hbm>>
      %dma_start3A_233 = tpu.memref_squeeze %dma_start3A_232 : memref<1x1x216x128xi32, #tpu.memory_space<hbm>> -> memref<216x128xi32, #tpu.memory_space<hbm>>
      %dma_start3A_234 = arith.constant 0 : i32
      %dma_start3A_235 = arith.constant 0 : i32
      %dma_start3A_236 = tpu.memref_slice %arg3[%arg0, %arg1, %dma_start3A_234, %dma_start3A_235] : memref<2x16x216x128xi32, #tpu.memory_space<hbm>> -> memref<1x1x216x128xi32, #tpu.memory_space<hbm>>
      %dma_start3A_237 = tpu.memref_squeeze %dma_start3A_236 : memref<1x1x216x128xi32, #tpu.memory_space<hbm>> -> memref<216x128xi32, #tpu.memory_space<hbm>>
      tpu.enqueue_dma source(%dma_start3A_237 : memref<216x128xi32, #tpu.memory_space<hbm>>) target(%arg6 : memref<216x128xi32, #tpu.memory_space<vmem>>) target_semaphore(%run_scoped3A : memref<!tpu.dma_semaphore, #tpu.memory_space<semaphore_mem>>)
      %dma_wait3A_238 = arith.constant 0 : i32
      %dma_wait3A_239 = arith.constant 0 : i32
      %dma_wait3A_240 = tpu.memref_slice %arg3[%arg0, %arg1, %dma_wait3A_238, %dma_wait3A_239] : memref<2x16x216x128xi32, #tpu.memory_space<hbm>> -> memref<1x1x216x128xi32, #tpu.memory_space<hbm>>
      %dma_wait3A_241 = tpu.memref_squeeze %dma_wait3A_240 : memref<1x1x216x128xi32, #tpu.memory_space<hbm>> -> memref<216x128xi32, #tpu.memory_space<hbm>>
      %dma_wait3A_242 = arith.constant 0 : i32
      %dma_wait3A_243 = arith.constant 0 : i32
      %dma_wait3A_244 = tpu.memref_slice %arg3[%arg0, %arg1, %dma_wait3A_242, %dma_wait3A_243] : memref<2x16x216x128xi32, #tpu.memory_space<hbm>> -> memref<1x1x216x128xi32, #tpu.memory_space<hbm>>
      %dma_wait3A_245 = tpu.memref_squeeze %dma_wait3A_244 : memref<1x1x216x128xi32, #tpu.memory_space<hbm>> -> memref<216x128xi32, #tpu.memory_space<hbm>>
      tpu.wait_dma2 semaphore(%run_scoped3A : memref<!tpu.dma_semaphore, #tpu.memory_space<semaphore_mem>>) src(%dma_wait3A_245 : memref<216x128xi32, #tpu.memory_space<hbm>>) dst(%arg6 : memref<216x128xi32, #tpu.memory_space<vmem>>)
      tpu.yield
    }) : () -> ()
    %barrier3A = arith.constant 0 : index
    tpu.barrier barrier_id(%barrier3A)
    %dma_start3A = arith.constant 0 : i32
    %dma_start3A_5 = arith.constant 0 : i32
    %dma_start3A_6 = arith.constant 0 : i32
    %dma_start3A_7 = tpu.memref_slice %arg7[%dma_start3A_5, %dma_start3A_6] : memref<256x64xf32, #tpu.memory_space<vmem>> -> memref<128x64xf32, #tpu.memory_space<vmem>>
    %dma_start3A_8 = arith.constant 0 : i32
    %dma_start3A_9 = tpu.memref_slice %arg6[%dma_start3A, %dma_start3A_8] : memref<216x128xi32, #tpu.memory_space<vmem>> -> memref<1x128xi32, #tpu.memory_space<vmem>>
    %dma_start3A_10 = tpu.memref_squeeze %dma_start3A_9 : memref<1x128xi32, #tpu.memory_space<vmem>> -> memref<128xi32, #tpu.memory_space<vmem>>
    %dma_start3A_11 = arith.constant 0 : i32
    %dma_start3A_12 = arith.constant 0 : i32
    %dma_start3A_13 = tpu.memref_slice %arg5[%dma_start3A_11, %dma_start3A_12] : memref<8448x64xf32, #tpu.memory_space<vmem_shared>> -> memref<8448x64xf32, #tpu.memory_space<vmem_shared>>
    tpu.enqueue_indirect_dma source(%dma_start3A_13 : memref<8448x64xf32, #tpu.memory_space<vmem_shared>>) target(%dma_start3A_7 : memref<128x64xf32, #tpu.memory_space<vmem>>) offsets(%dma_start3A_10 : memref<128xi32, #tpu.memory_space<vmem>>) semaphore(%arg10 : memref<!tpu.dma_semaphore, #tpu.memory_space<semaphore_mem>>)
    %dma_start3A_14 = arith.constant 1 : i32
    %dma_start3A_15 = arith.constant 128 : i32
    %dma_start3A_16 = arith.constant 0 : i32
    %dma_start3A_17 = tpu.memref_slice %arg7[%dma_start3A_15, %dma_start3A_16] : memref<256x64xf32, #tpu.memory_space<vmem>> -> memref<128x64xf32, #tpu.memory_space<vmem>>
    %dma_start3A_18 = arith.constant 0 : i32
    %dma_start3A_19 = tpu.memref_slice %arg6[%dma_start3A_14, %dma_start3A_18] : memref<216x128xi32, #tpu.memory_space<vmem>> -> memref<1x128xi32, #tpu.memory_space<vmem>>
    %dma_start3A_20 = tpu.memref_squeeze %dma_start3A_19 : memref<1x128xi32, #tpu.memory_space<vmem>> -> memref<128xi32, #tpu.memory_space<vmem>>
    %dma_start3A_21 = arith.constant 0 : i32
    %dma_start3A_22 = arith.constant 0 : i32
    %dma_start3A_23 = tpu.memref_slice %arg5[%dma_start3A_21, %dma_start3A_22] : memref<8448x64xf32, #tpu.memory_space<vmem_shared>> -> memref<8448x64xf32, #tpu.memory_space<vmem_shared>>
    tpu.enqueue_indirect_dma source(%dma_start3A_23 : memref<8448x64xf32, #tpu.memory_space<vmem_shared>>) target(%dma_start3A_17 : memref<128x64xf32, #tpu.memory_space<vmem>>) offsets(%dma_start3A_20 : memref<128xi32, #tpu.memory_space<vmem>>) semaphore(%arg10 : memref<!tpu.dma_semaphore, #tpu.memory_space<semaphore_mem>>)
    %dma_start3A_24 = arith.constant 2 : i32
    %dma_start3A_25 = arith.constant 0 : i32
    %dma_start3A_26 = arith.constant 0 : i32
    %dma_start3A_27 = tpu.memref_slice %arg8[%dma_start3A_25, %dma_start3A_26] : memref<256x64xf32, #tpu.memory_space<vmem>> -> memref<128x64xf32, #tpu.memory_space<vmem>>
    %dma_start3A_28 = arith.constant 0 : i32
    %dma_start3A_29 = tpu.memref_slice %arg6[%dma_start3A_24, %dma_start3A_28] : memref<216x128xi32, #tpu.memory_space<vmem>> -> memref<1x128xi32, #tpu.memory_space<vmem>>
    %dma_start3A_30 = tpu.memref_squeeze %dma_start3A_29 : memref<1x128xi32, #tpu.memory_space<vmem>> -> memref<128xi32, #tpu.memory_space<vmem>>
    %dma_start3A_31 = arith.constant 0 : i32
    %dma_start3A_32 = arith.constant 0 : i32
    %dma_start3A_33 = tpu.memref_slice %arg5[%dma_start3A_31, %dma_start3A_32] : memref<8448x64xf32, #tpu.memory_space<vmem_shared>> -> memref<8448x64xf32, #tpu.memory_space<vmem_shared>>
    tpu.enqueue_indirect_dma source(%dma_start3A_33 : memref<8448x64xf32, #tpu.memory_space<vmem_shared>>) target(%dma_start3A_27 : memref<128x64xf32, #tpu.memory_space<vmem>>) offsets(%dma_start3A_30 : memref<128xi32, #tpu.memory_space<vmem>>) semaphore(%arg11 : memref<!tpu.dma_semaphore, #tpu.memory_space<semaphore_mem>>)
    %dma_start3A_34 = arith.constant 3 : i32
    %dma_start3A_35 = arith.constant 128 : i32
    %dma_start3A_36 = arith.constant 0 : i32
    %dma_start3A_37 = tpu.memref_slice %arg8[%dma_start3A_35, %dma_start3A_36] : memref<256x64xf32, #tpu.memory_space<vmem>> -> memref<128x64xf32, #tpu.memory_space<vmem>>
    %dma_start3A_38 = arith.constant 0 : i32
    %dma_start3A_39 = tpu.memref_slice %arg6[%dma_start3A_34, %dma_start3A_38] : memref<216x128xi32, #tpu.memory_space<vmem>> -> memref<1x128xi32, #tpu.memory_space<vmem>>
    %dma_start3A_40 = tpu.memref_squeeze %dma_start3A_39 : memref<1x128xi32, #tpu.memory_space<vmem>> -> memref<128xi32, #tpu.memory_space<vmem>>
    %dma_start3A_41 = arith.constant 0 : i32
    %dma_start3A_42 = arith.constant 0 : i32
    %dma_start3A_43 = tpu.memref_slice %arg5[%dma_start3A_41, %dma_start3A_42] : memref<8448x64xf32, #tpu.memory_space<vmem_shared>> -> memref<8448x64xf32, #tpu.memory_space<vmem_shared>>
    tpu.enqueue_indirect_dma source(%dma_start3A_43 : memref<8448x64xf32, #tpu.memory_space<vmem_shared>>) target(%dma_start3A_37 : memref<128x64xf32, #tpu.memory_space<vmem>>) offsets(%dma_start3A_40 : memref<128xi32, #tpu.memory_space<vmem>>) semaphore(%arg11 : memref<!tpu.dma_semaphore, #tpu.memory_space<semaphore_mem>>)
    %dma_start3A_44 = arith.constant 4 : i32
    %dma_start3A_45 = arith.constant 0 : i32
    %dma_start3A_46 = arith.constant 0 : i32
    %dma_start3A_47 = tpu.memref_slice %arg9[%dma_start3A_45, %dma_start3A_46] : memref<256x64xf32, #tpu.memory_space<vmem>> -> memref<128x64xf32, #tpu.memory_space<vmem>>
    %dma_start3A_48 = arith.constant 0 : i32
    %dma_start3A_49 = tpu.memref_slice %arg6[%dma_start3A_44, %dma_start3A_48] : memref<216x128xi32, #tpu.memory_space<vmem>> -> memref<1x128xi32, #tpu.memory_space<vmem>>
    %dma_start3A_50 = tpu.memref_squeeze %dma_start3A_49 : memref<1x128xi32, #tpu.memory_space<vmem>> -> memref<128xi32, #tpu.memory_space<vmem>>
    %dma_start3A_51 = arith.constant 0 : i32
    %dma_start3A_52 = arith.constant 0 : i32
    %dma_start3A_53 = tpu.memref_slice %arg5[%dma_start3A_51, %dma_start3A_52] : memref<8448x64xf32, #tpu.memory_space<vmem_shared>> -> memref<8448x64xf32, #tpu.memory_space<vmem_shared>>
    tpu.enqueue_indirect_dma source(%dma_start3A_53 : memref<8448x64xf32, #tpu.memory_space<vmem_shared>>) target(%dma_start3A_47 : memref<128x64xf32, #tpu.memory_space<vmem>>) offsets(%dma_start3A_50 : memref<128xi32, #tpu.memory_space<vmem>>) semaphore(%arg12 : memref<!tpu.dma_semaphore, #tpu.memory_space<semaphore_mem>>)
    %dma_start3A_54 = arith.constant 5 : i32
    %dma_start3A_55 = arith.constant 128 : i32
    %dma_start3A_56 = arith.constant 0 : i32
    %dma_start3A_57 = tpu.memref_slice %arg9[%dma_start3A_55, %dma_start3A_56] : memref<256x64xf32, #tpu.memory_space<vmem>> -> memref<128x64xf32, #tpu.memory_space<vmem>>
    %dma_start3A_58 = arith.constant 0 : i32
    %dma_start3A_59 = tpu.memref_slice %arg6[%dma_start3A_54, %dma_start3A_58] : memref<216x128xi32, #tpu.memory_space<vmem>> -> memref<1x128xi32, #tpu.memory_space<vmem>>
    %dma_start3A_60 = tpu.memref_squeeze %dma_start3A_59 : memref<1x128xi32, #tpu.memory_space<vmem>> -> memref<128xi32, #tpu.memory_space<vmem>>
    %dma_start3A_61 = arith.constant 0 : i32
    %dma_start3A_62 = arith.constant 0 : i32
    %dma_start3A_63 = tpu.memref_slice %arg5[%dma_start3A_61, %dma_start3A_62] : memref<8448x64xf32, #tpu.memory_space<vmem_shared>> -> memref<8448x64xf32, #tpu.memory_space<vmem_shared>>
    tpu.enqueue_indirect_dma source(%dma_start3A_63 : memref<8448x64xf32, #tpu.memory_space<vmem_shared>>) target(%dma_start3A_57 : memref<128x64xf32, #tpu.memory_space<vmem>>) offsets(%dma_start3A_60 : memref<128xi32, #tpu.memory_space<vmem>>) semaphore(%arg12 : memref<!tpu.dma_semaphore, #tpu.memory_space<semaphore_mem>>)
    %scan3A = arith.constant 0 : i32
    %scan3A_64 = arith.constant 35 : i32
    %scan3A_65 = arith.addi %scan3A, %scan3A_64 : i32
    %scan3A_66 = arith.constant 1 : i32
    scf.for %scan3A_230 = %scan3A to %scan3A_65 step %scan3A_66  : i32 {
      %mul3A_231 = arith.constant 1 : i32
      %mul3A_232 = arith.muli %scan3A_230, %mul3A_231 : i32
      %add3A_233 = arith.constant 0 : i32
      %add3A_234 = arith.addi %add3A_233, %mul3A_232 : i32
      %mul3A_235 = arith.constant 3 : i32
      %mul3A_236 = arith.muli %add3A_234, %mul3A_235 : i32
      %add3A_237 = arith.constant 0 : i32
      %add3A_238 = arith.addi %mul3A_236, %add3A_237 : i32
      %dma_wait3A_239 = arith.constant 0 : i32
      %dma_wait3A_240 = arith.constant 0 : i32
      %dma_wait3A_241 = tpu.memref_slice %arg2[%dma_wait3A_239, %dma_wait3A_240] : memref<16896x64xf32, #tpu.memory_space<hbm>> -> memref<256x64xf32, #tpu.memory_space<hbm>>
      %dma_wait3A_242 = arith.constant 0 : i32
      %dma_wait3A_243 = arith.constant 0 : i32
      %dma_wait3A_244 = tpu.memref_slice %arg2[%dma_wait3A_242, %dma_wait3A_243] : memref<16896x64xf32, #tpu.memory_space<hbm>> -> memref<256x64xf32, #tpu.memory_space<hbm>>
      tpu.wait_dma2 semaphore(%arg10 : memref<!tpu.dma_semaphore, #tpu.memory_space<semaphore_mem>>) src(%dma_wait3A_244 : memref<256x64xf32, #tpu.memory_space<hbm>>) dst(%arg7 : memref<256x64xf32, #tpu.memory_space<vmem>>)
      %jit3A_245 = arith.constant 36 : i32
      %div3A_246 = arith.divsi %add3A_238, %jit3A_245 : i32
      %sign3A_247 = arith.constant 0 : i32
      %sign3A_248 = arith.cmpi sgt, %add3A_238, %sign3A_247 : i32
      %sign3A_249 = arith.extui %sign3A_248 : i1 to i32
      %sign3A_250 = arith.constant 0 : i32
      %sign3A_251 = arith.cmpi slt, %add3A_238, %sign3A_250 : i32
      %sign3A_252 = arith.extui %sign3A_251 : i1 to i32
      %sign3A_253 = arith.subi %sign3A_249, %sign3A_252 : i32
      %sign3A_254 = arith.constant 0 : i32
      %sign3A_255 = arith.cmpi sgt, %jit3A_245, %sign3A_254 : i32
      %sign3A_256 = arith.extui %sign3A_255 : i1 to i32
      %sign3A_257 = arith.constant 0 : i32
      %sign3A_258 = arith.cmpi slt, %jit3A_245, %sign3A_257 : i32
      %sign3A_259 = arith.extui %sign3A_258 : i1 to i32
      %sign3A_260 = arith.subi %sign3A_256, %sign3A_259 : i32
      %ne3A_261 = arith.cmpi ne, %sign3A_253, %sign3A_260 : i32
      %rem3A_262 = arith.remsi %add3A_238, %jit3A_245 : i32
      %ne3A_263 = arith.constant 0 : i32
      %ne3A_264 = arith.cmpi ne, %rem3A_262, %ne3A_263 : i32
      %and3A_265 = arith.andi %ne3A_261, %ne3A_264 : i1
      %sub3A_266 = arith.constant 1 : i32
      %sub3A_267 = arith.subi %div3A_246, %sub3A_266 : i32
      %select_n3A_268 = arith.select %and3A_265, %sub3A_267, %div3A_246 : i32
      %rem3A_269 = arith.constant 36 : i32
      %rem3A_270 = arith.remsi %add3A_238, %rem3A_269 : i32
      %jit3A_271 = arith.constant 4 : i32
      %div3A_272 = arith.divsi %rem3A_270, %jit3A_271 : i32
      %sign3A_273 = arith.constant 0 : i32
      %sign3A_274 = arith.cmpi sgt, %rem3A_270, %sign3A_273 : i32
      %sign3A_275 = arith.extui %sign3A_274 : i1 to i32
      %sign3A_276 = arith.constant 0 : i32
      %sign3A_277 = arith.cmpi slt, %rem3A_270, %sign3A_276 : i32
      %sign3A_278 = arith.extui %sign3A_277 : i1 to i32
      %sign3A_279 = arith.subi %sign3A_275, %sign3A_278 : i32
      %sign3A_280 = arith.constant 0 : i32
      %sign3A_281 = arith.cmpi sgt, %jit3A_271, %sign3A_280 : i32
      %sign3A_282 = arith.extui %sign3A_281 : i1 to i32
      %sign3A_283 = arith.constant 0 : i32
      %sign3A_284 = arith.cmpi slt, %jit3A_271, %sign3A_283 : i32
      %sign3A_285 = arith.extui %sign3A_284 : i1 to i32
      %sign3A_286 = arith.subi %sign3A_282, %sign3A_285 : i32
      %ne3A_287 = arith.cmpi ne, %sign3A_279, %sign3A_286 : i32
      %rem3A_288 = arith.remsi %rem3A_270, %jit3A_271 : i32
      %ne3A_289 = arith.constant 0 : i32
      %ne3A_290 = arith.cmpi ne, %rem3A_288, %ne3A_289 : i32
      %and3A_291 = arith.andi %ne3A_287, %ne3A_290 : i1
      %sub3A_292 = arith.constant 1 : i32
      %sub3A_293 = arith.subi %div3A_272, %sub3A_292 : i32
      %select_n3A_294 = arith.select %and3A_291, %sub3A_293, %div3A_272 : i32
      %rem3A_295 = arith.constant 4 : i32
      %rem3A_296 = arith.remsi %rem3A_270, %rem3A_295 : i32
      %mul3A_297 = arith.constant 1024 : i32
      %mul3A_298 = arith.muli %arg1, %mul3A_297 : i32
      %mul3A_299 = arith.constant 256 : i32
      %mul3A_300 = arith.muli %rem3A_296, %mul3A_299 : i32
      %add3A_301 = arith.addi %mul3A_298, %mul3A_300 : i32
      %mul3A_302 = arith.constant 3 : i32
      %mul3A_303 = arith.muli %arg0, %mul3A_302 : i32
      %add3A_304 = arith.addi %mul3A_303, %select_n3A_268 : i32
      %dma_start3A_305 = arith.constant 0 : i32
      %dma_start3A_306 = arith.constant 0 : i32
      %dma_start3A_307 = tpu.memref_slice %arg4[%dma_start3A_305, %add3A_304, %add3A_301, %select_n3A_294, %dma_start3A_306] : memref<1x6x16384x9x64xf32, #tpu.memory_space<hbm>> -> memref<1x1x256x1x64xf32, #tpu.memory_space<hbm>>
      %dma_start3A_308 = tpu.memref_squeeze %dma_start3A_307 : memref<1x1x256x1x64xf32, #tpu.memory_space<hbm>> -> memref<256x64xf32, #tpu.memory_space<hbm>>
      %dma_start3A_309 = arith.constant 0 : i32
      %dma_start3A_310 = tpu.memref_slice %arg4[%dma_start3A_305, %add3A_304, %add3A_301, %select_n3A_294, %dma_start3A_309] : memref<1x6x16384x9x64xf32, #tpu.memory_space<hbm>> -> memref<1x1x256x1x64xf32, #tpu.memory_space<hbm>>
      %dma_start3A_311 = tpu.memref_squeeze %dma_start3A_310 : memref<1x1x256x1x64xf32, #tpu.memory_space<hbm>> -> memref<256x64xf32, #tpu.memory_space<hbm>>
      tpu.enqueue_dma source(%arg7 : memref<256x64xf32, #tpu.memory_space<vmem>>) target(%dma_start3A_311 : memref<256x64xf32, #tpu.memory_space<hbm>>) target_semaphore(%arg13 : memref<!tpu.dma_semaphore, #tpu.memory_space<semaphore_mem>>)
      %mul3A_312 = arith.constant 3 : i32
      %mul3A_313 = arith.muli %add3A_234, %mul3A_312 : i32
      %add3A_314 = arith.constant 1 : i32
      %add3A_315 = arith.addi %mul3A_313, %add3A_314 : i32
      %dma_wait3A_316 = arith.constant 0 : i32
      %dma_wait3A_317 = arith.constant 0 : i32
      %dma_wait3A_318 = tpu.memref_slice %arg2[%dma_wait3A_316, %dma_wait3A_317] : memref<16896x64xf32, #tpu.memory_space<hbm>> -> memref<256x64xf32, #tpu.memory_space<hbm>>
      %dma_wait3A_319 = arith.constant 0 : i32
      %dma_wait3A_320 = arith.constant 0 : i32
      %dma_wait3A_321 = tpu.memref_slice %arg2[%dma_wait3A_319, %dma_wait3A_320] : memref<16896x64xf32, #tpu.memory_space<hbm>> -> memref<256x64xf32, #tpu.memory_space<hbm>>
      tpu.wait_dma2 semaphore(%arg11 : memref<!tpu.dma_semaphore, #tpu.memory_space<semaphore_mem>>) src(%dma_wait3A_321 : memref<256x64xf32, #tpu.memory_space<hbm>>) dst(%arg8 : memref<256x64xf32, #tpu.memory_space<vmem>>)
      %jit3A_322 = arith.constant 36 : i32
      %div3A_323 = arith.divsi %add3A_315, %jit3A_322 : i32
      %sign3A_324 = arith.constant 0 : i32
      %sign3A_325 = arith.cmpi sgt, %add3A_315, %sign3A_324 : i32
      %sign3A_326 = arith.extui %sign3A_325 : i1 to i32
      %sign3A_327 = arith.constant 0 : i32
      %sign3A_328 = arith.cmpi slt, %add3A_315, %sign3A_327 : i32
      %sign3A_329 = arith.extui %sign3A_328 : i1 to i32
      %sign3A_330 = arith.subi %sign3A_326, %sign3A_329 : i32
      %sign3A_331 = arith.constant 0 : i32
      %sign3A_332 = arith.cmpi sgt, %jit3A_322, %sign3A_331 : i32
      %sign3A_333 = arith.extui %sign3A_332 : i1 to i32
      %sign3A_334 = arith.constant 0 : i32
      %sign3A_335 = arith.cmpi slt, %jit3A_322, %sign3A_334 : i32
      %sign3A_336 = arith.extui %sign3A_335 : i1 to i32
      %sign3A_337 = arith.subi %sign3A_333, %sign3A_336 : i32
      %ne3A_338 = arith.cmpi ne, %sign3A_330, %sign3A_337 : i32
      %rem3A_339 = arith.remsi %add3A_315, %jit3A_322 : i32
      %ne3A_340 = arith.constant 0 : i32
      %ne3A_341 = arith.cmpi ne, %rem3A_339, %ne3A_340 : i32
      %and3A_342 = arith.andi %ne3A_338, %ne3A_341 : i1
      %sub3A_343 = arith.constant 1 : i32
      %sub3A_344 = arith.subi %div3A_323, %sub3A_343 : i32
      %select_n3A_345 = arith.select %and3A_342, %sub3A_344, %div3A_323 : i32
      %rem3A_346 = arith.constant 36 : i32
      %rem3A_347 = arith.remsi %add3A_315, %rem3A_346 : i32
      %jit3A_348 = arith.constant 4 : i32
      %div3A_349 = arith.divsi %rem3A_347, %jit3A_348 : i32
      %sign3A_350 = arith.constant 0 : i32
      %sign3A_351 = arith.cmpi sgt, %rem3A_347, %sign3A_350 : i32
      %sign3A_352 = arith.extui %sign3A_351 : i1 to i32
      %sign3A_353 = arith.constant 0 : i32
      %sign3A_354 = arith.cmpi slt, %rem3A_347, %sign3A_353 : i32
      %sign3A_355 = arith.extui %sign3A_354 : i1 to i32
      %sign3A_356 = arith.subi %sign3A_352, %sign3A_355 : i32
      %sign3A_357 = arith.constant 0 : i32
      %sign3A_358 = arith.cmpi sgt, %jit3A_348, %sign3A_357 : i32
      %sign3A_359 = arith.extui %sign3A_358 : i1 to i32
      %sign3A_360 = arith.constant 0 : i32
      %sign3A_361 = arith.cmpi slt, %jit3A_348, %sign3A_360 : i32
      %sign3A_362 = arith.extui %sign3A_361 : i1 to i32
      %sign3A_363 = arith.subi %sign3A_359, %sign3A_362 : i32
      %ne3A_364 = arith.cmpi ne, %sign3A_356, %sign3A_363 : i32
      %rem3A_365 = arith.remsi %rem3A_347, %jit3A_348 : i32
      %ne3A_366 = arith.constant 0 : i32
      %ne3A_367 = arith.cmpi ne, %rem3A_365, %ne3A_366 : i32
      %and3A_368 = arith.andi %ne3A_364, %ne3A_367 : i1
      %sub3A_369 = arith.constant 1 : i32
      %sub3A_370 = arith.subi %div3A_349, %sub3A_369 : i32
      %select_n3A_371 = arith.select %and3A_368, %sub3A_370, %div3A_349 : i32
      %rem3A_372 = arith.constant 4 : i32
      %rem3A_373 = arith.remsi %rem3A_347, %rem3A_372 : i32
      %mul3A_374 = arith.constant 1024 : i32
      %mul3A_375 = arith.muli %arg1, %mul3A_374 : i32
      %mul3A_376 = arith.constant 256 : i32
      %mul3A_377 = arith.muli %rem3A_373, %mul3A_376 : i32
      %add3A_378 = arith.addi %mul3A_375, %mul3A_377 : i32
      %mul3A_379 = arith.constant 3 : i32
      %mul3A_380 = arith.muli %arg0, %mul3A_379 : i32
      %add3A_381 = arith.addi %mul3A_380, %select_n3A_345 : i32
      %dma_start3A_382 = arith.constant 0 : i32
      %dma_start3A_383 = arith.constant 0 : i32
      %dma_start3A_384 = tpu.memref_slice %arg4[%dma_start3A_382, %add3A_381, %add3A_378, %select_n3A_371, %dma_start3A_383] : memref<1x6x16384x9x64xf32, #tpu.memory_space<hbm>> -> memref<1x1x256x1x64xf32, #tpu.memory_space<hbm>>
      %dma_start3A_385 = tpu.memref_squeeze %dma_start3A_384 : memref<1x1x256x1x64xf32, #tpu.memory_space<hbm>> -> memref<256x64xf32, #tpu.memory_space<hbm>>
      %dma_start3A_386 = arith.constant 0 : i32
      %dma_start3A_387 = tpu.memref_slice %arg4[%dma_start3A_382, %add3A_381, %add3A_378, %select_n3A_371, %dma_start3A_386] : memref<1x6x16384x9x64xf32, #tpu.memory_space<hbm>> -> memref<1x1x256x1x64xf32, #tpu.memory_space<hbm>>
      %dma_start3A_388 = tpu.memref_squeeze %dma_start3A_387 : memref<1x1x256x1x64xf32, #tpu.memory_space<hbm>> -> memref<256x64xf32, #tpu.memory_space<hbm>>
      tpu.enqueue_dma source(%arg8 : memref<256x64xf32, #tpu.memory_space<vmem>>) target(%dma_start3A_388 : memref<256x64xf32, #tpu.memory_space<hbm>>) target_semaphore(%arg14 : memref<!tpu.dma_semaphore, #tpu.memory_space<semaphore_mem>>)
      %mul3A_389 = arith.constant 3 : i32
      %mul3A_390 = arith.muli %add3A_234, %mul3A_389 : i32
      %add3A_391 = arith.constant 2 : i32
      %add3A_392 = arith.addi %mul3A_390, %add3A_391 : i32
      %dma_wait3A_393 = arith.constant 0 : i32
      %dma_wait3A_394 = arith.constant 0 : i32
      %dma_wait3A_395 = tpu.memref_slice %arg2[%dma_wait3A_393, %dma_wait3A_394] : memref<16896x64xf32, #tpu.memory_space<hbm>> -> memref<256x64xf32, #tpu.memory_space<hbm>>
      %dma_wait3A_396 = arith.constant 0 : i32
      %dma_wait3A_397 = arith.constant 0 : i32
      %dma_wait3A_398 = tpu.memref_slice %arg2[%dma_wait3A_396, %dma_wait3A_397] : memref<16896x64xf32, #tpu.memory_space<hbm>> -> memref<256x64xf32, #tpu.memory_space<hbm>>
      tpu.wait_dma2 semaphore(%arg12 : memref<!tpu.dma_semaphore, #tpu.memory_space<semaphore_mem>>) src(%dma_wait3A_398 : memref<256x64xf32, #tpu.memory_space<hbm>>) dst(%arg9 : memref<256x64xf32, #tpu.memory_space<vmem>>)
      %jit3A_399 = arith.constant 36 : i32
      %div3A_400 = arith.divsi %add3A_392, %jit3A_399 : i32
      %sign3A_401 = arith.constant 0 : i32
      %sign3A_402 = arith.cmpi sgt, %add3A_392, %sign3A_401 : i32
      %sign3A_403 = arith.extui %sign3A_402 : i1 to i32
      %sign3A_404 = arith.constant 0 : i32
      %sign3A_405 = arith.cmpi slt, %add3A_392, %sign3A_404 : i32
      %sign3A_406 = arith.extui %sign3A_405 : i1 to i32
      %sign3A_407 = arith.subi %sign3A_403, %sign3A_406 : i32
      %sign3A_408 = arith.constant 0 : i32
      %sign3A_409 = arith.cmpi sgt, %jit3A_399, %sign3A_408 : i32
      %sign3A_410 = arith.extui %sign3A_409 : i1 to i32
      %sign3A_411 = arith.constant 0 : i32
      %sign3A_412 = arith.cmpi slt, %jit3A_399, %sign3A_411 : i32
      %sign3A_413 = arith.extui %sign3A_412 : i1 to i32
      %sign3A_414 = arith.subi %sign3A_410, %sign3A_413 : i32
      %ne3A_415 = arith.cmpi ne, %sign3A_407, %sign3A_414 : i32
      %rem3A_416 = arith.remsi %add3A_392, %jit3A_399 : i32
      %ne3A_417 = arith.constant 0 : i32
      %ne3A_418 = arith.cmpi ne, %rem3A_416, %ne3A_417 : i32
      %and3A_419 = arith.andi %ne3A_415, %ne3A_418 : i1
      %sub3A_420 = arith.constant 1 : i32
      %sub3A_421 = arith.subi %div3A_400, %sub3A_420 : i32
      %select_n3A_422 = arith.select %and3A_419, %sub3A_421, %div3A_400 : i32
      %rem3A_423 = arith.constant 36 : i32
      %rem3A_424 = arith.remsi %add3A_392, %rem3A_423 : i32
      %jit3A_425 = arith.constant 4 : i32
      %div3A_426 = arith.divsi %rem3A_424, %jit3A_425 : i32
      %sign3A_427 = arith.constant 0 : i32
      %sign3A_428 = arith.cmpi sgt, %rem3A_424, %sign3A_427 : i32
      %sign3A_429 = arith.extui %sign3A_428 : i1 to i32
      %sign3A_430 = arith.constant 0 : i32
      %sign3A_431 = arith.cmpi slt, %rem3A_424, %sign3A_430 : i32
      %sign3A_432 = arith.extui %sign3A_431 : i1 to i32
      %sign3A_433 = arith.subi %sign3A_429, %sign3A_432 : i32
      %sign3A_434 = arith.constant 0 : i32
      %sign3A_435 = arith.cmpi sgt, %jit3A_425, %sign3A_434 : i32
      %sign3A_436 = arith.extui %sign3A_435 : i1 to i32
      %sign3A_437 = arith.constant 0 : i32
      %sign3A_438 = arith.cmpi slt, %jit3A_425, %sign3A_437 : i32
      %sign3A_439 = arith.extui %sign3A_438 : i1 to i32
      %sign3A_440 = arith.subi %sign3A_436, %sign3A_439 : i32
      %ne3A_441 = arith.cmpi ne, %sign3A_433, %sign3A_440 : i32
      %rem3A_442 = arith.remsi %rem3A_424, %jit3A_425 : i32
      %ne3A_443 = arith.constant 0 : i32
      %ne3A_444 = arith.cmpi ne, %rem3A_442, %ne3A_443 : i32
      %and3A_445 = arith.andi %ne3A_441, %ne3A_444 : i1
      %sub3A_446 = arith.constant 1 : i32
      %sub3A_447 = arith.subi %div3A_426, %sub3A_446 : i32
      %select_n3A_448 = arith.select %and3A_445, %sub3A_447, %div3A_426 : i32
      %rem3A_449 = arith.constant 4 : i32
      %rem3A_450 = arith.remsi %rem3A_424, %rem3A_449 : i32
      %mul3A_451 = arith.constant 1024 : i32
      %mul3A_452 = arith.muli %arg1, %mul3A_451 : i32
      %mul3A_453 = arith.constant 256 : i32
      %mul3A_454 = arith.muli %rem3A_450, %mul3A_453 : i32
      %add3A_455 = arith.addi %mul3A_452, %mul3A_454 : i32
      %mul3A_456 = arith.constant 3 : i32
      %mul3A_457 = arith.muli %arg0, %mul3A_456 : i32
      %add3A_458 = arith.addi %mul3A_457, %select_n3A_422 : i32
      %dma_start3A_459 = arith.constant 0 : i32
      %dma_start3A_460 = arith.constant 0 : i32
      %dma_start3A_461 = tpu.memref_slice %arg4[%dma_start3A_459, %add3A_458, %add3A_455, %select_n3A_448, %dma_start3A_460] : memref<1x6x16384x9x64xf32, #tpu.memory_space<hbm>> -> memref<1x1x256x1x64xf32, #tpu.memory_space<hbm>>
      %dma_start3A_462 = tpu.memref_squeeze %dma_start3A_461 : memref<1x1x256x1x64xf32, #tpu.memory_space<hbm>> -> memref<256x64xf32, #tpu.memory_space<hbm>>
      %dma_start3A_463 = arith.constant 0 : i32
      %dma_start3A_464 = tpu.memref_slice %arg4[%dma_start3A_459, %add3A_458, %add3A_455, %select_n3A_448, %dma_start3A_463] : memref<1x6x16384x9x64xf32, #tpu.memory_space<hbm>> -> memref<1x1x256x1x64xf32, #tpu.memory_space<hbm>>
      %dma_start3A_465 = tpu.memref_squeeze %dma_start3A_464 : memref<1x1x256x1x64xf32, #tpu.memory_space<hbm>> -> memref<256x64xf32, #tpu.memory_space<hbm>>
      tpu.enqueue_dma source(%arg9 : memref<256x64xf32, #tpu.memory_space<vmem>>) target(%dma_start3A_465 : memref<256x64xf32, #tpu.memory_space<hbm>>) target_semaphore(%arg15 : memref<!tpu.dma_semaphore, #tpu.memory_space<semaphore_mem>>)
      %dma_wait3A_466 = arith.constant 0 : i32
      %dma_wait3A_467 = arith.constant 0 : i32
      %dma_wait3A_468 = tpu.memref_slice %arg2[%dma_wait3A_466, %dma_wait3A_467] : memref<16896x64xf32, #tpu.memory_space<hbm>> -> memref<256x64xf32, #tpu.memory_space<hbm>>
      %dma_wait3A_469 = arith.constant 0 : i32
      %dma_wait3A_470 = arith.constant 0 : i32
      %dma_wait3A_471 = tpu.memref_slice %arg2[%dma_wait3A_469, %dma_wait3A_470] : memref<16896x64xf32, #tpu.memory_space<hbm>> -> memref<256x64xf32, #tpu.memory_space<hbm>>
      tpu.wait_dma2 semaphore(%arg13 : memref<!tpu.dma_semaphore, #tpu.memory_space<semaphore_mem>>) src(%dma_wait3A_471 : memref<256x64xf32, #tpu.memory_space<hbm>>) dst(%arg7 : memref<256x64xf32, #tpu.memory_space<vmem>>)
      %mul3A_472 = arith.constant 3 : i32
      %mul3A_473 = arith.muli %add3A_234, %mul3A_472 : i32
      %add3A_474 = arith.constant 0 : i32
      %add3A_475 = arith.addi %mul3A_473, %add3A_474 : i32
      %add3A_476 = arith.constant 3 : i32
      %add3A_477 = arith.addi %add3A_475, %add3A_476 : i32
      %mul3A_478 = arith.constant 2 : i32
      %mul3A_479 = arith.muli %add3A_477, %mul3A_478 : i32
      %add3A_480 = arith.constant 0 : i32
      %add3A_481 = arith.addi %mul3A_479, %add3A_480 : i32
      %dma_start3A_482 = arith.constant 0 : i32
      %dma_start3A_483 = arith.constant 0 : i32
      %dma_start3A_484 = tpu.memref_slice %arg7[%dma_start3A_482, %dma_start3A_483] : memref<256x64xf32, #tpu.memory_space<vmem>> -> memref<128x64xf32, #tpu.memory_space<vmem>>
      %dma_start3A_485 = arith.constant 0 : i32
      %dma_start3A_486 = tpu.memref_slice %arg6[%add3A_481, %dma_start3A_485] : memref<216x128xi32, #tpu.memory_space<vmem>> -> memref<1x128xi32, #tpu.memory_space<vmem>>
      %dma_start3A_487 = tpu.memref_squeeze %dma_start3A_486 : memref<1x128xi32, #tpu.memory_space<vmem>> -> memref<128xi32, #tpu.memory_space<vmem>>
      %dma_start3A_488 = arith.constant 0 : i32
      %dma_start3A_489 = arith.constant 0 : i32
      %dma_start3A_490 = tpu.memref_slice %arg5[%dma_start3A_488, %dma_start3A_489] : memref<8448x64xf32, #tpu.memory_space<vmem_shared>> -> memref<8448x64xf32, #tpu.memory_space<vmem_shared>>
      tpu.enqueue_indirect_dma source(%dma_start3A_490 : memref<8448x64xf32, #tpu.memory_space<vmem_shared>>) target(%dma_start3A_484 : memref<128x64xf32, #tpu.memory_space<vmem>>) offsets(%dma_start3A_487 : memref<128xi32, #tpu.memory_space<vmem>>) semaphore(%arg10 : memref<!tpu.dma_semaphore, #tpu.memory_space<semaphore_mem>>)
      %mul3A_491 = arith.constant 2 : i32
      %mul3A_492 = arith.muli %add3A_477, %mul3A_491 : i32
      %add3A_493 = arith.constant 1 : i32
      %add3A_494 = arith.addi %mul3A_492, %add3A_493 : i32
      %dma_start3A_495 = arith.constant 128 : i32
      %dma_start3A_496 = arith.constant 0 : i32
      %dma_start3A_497 = tpu.memref_slice %arg7[%dma_start3A_495, %dma_start3A_496] : memref<256x64xf32, #tpu.memory_space<vmem>> -> memref<128x64xf32, #tpu.memory_space<vmem>>
      %dma_start3A_498 = arith.constant 0 : i32
      %dma_start3A_499 = tpu.memref_slice %arg6[%add3A_494, %dma_start3A_498] : memref<216x128xi32, #tpu.memory_space<vmem>> -> memref<1x128xi32, #tpu.memory_space<vmem>>
      %dma_start3A_500 = tpu.memref_squeeze %dma_start3A_499 : memref<1x128xi32, #tpu.memory_space<vmem>> -> memref<128xi32, #tpu.memory_space<vmem>>
      %dma_start3A_501 = arith.constant 0 : i32
      %dma_start3A_502 = arith.constant 0 : i32
      %dma_start3A_503 = tpu.memref_slice %arg5[%dma_start3A_501, %dma_start3A_502] : memref<8448x64xf32, #tpu.memory_space<vmem_shared>> -> memref<8448x64xf32, #tpu.memory_space<vmem_shared>>
      tpu.enqueue_indirect_dma source(%dma_start3A_503 : memref<8448x64xf32, #tpu.memory_space<vmem_shared>>) target(%dma_start3A_497 : memref<128x64xf32, #tpu.memory_space<vmem>>) offsets(%dma_start3A_500 : memref<128xi32, #tpu.memory_space<vmem>>) semaphore(%arg10 : memref<!tpu.dma_semaphore, #tpu.memory_space<semaphore_mem>>)
      %dma_wait3A_504 = arith.constant 0 : i32
      %dma_wait3A_505 = arith.constant 0 : i32
      %dma_wait3A_506 = tpu.memref_slice %arg2[%dma_wait3A_504, %dma_wait3A_505] : memref<16896x64xf32, #tpu.memory_space<hbm>> -> memref<256x64xf32, #tpu.memory_space<hbm>>
      %dma_wait3A_507 = arith.constant 0 : i32
      %dma_wait3A_508 = arith.constant 0 : i32
      %dma_wait3A_509 = tpu.memref_slice %arg2[%dma_wait3A_507, %dma_wait3A_508] : memref<16896x64xf32, #tpu.memory_space<hbm>> -> memref<256x64xf32, #tpu.memory_space<hbm>>
      tpu.wait_dma2 semaphore(%arg14 : memref<!tpu.dma_semaphore, #tpu.memory_space<semaphore_mem>>) src(%dma_wait3A_509 : memref<256x64xf32, #tpu.memory_space<hbm>>) dst(%arg8 : memref<256x64xf32, #tpu.memory_space<vmem>>)
      %mul3A_510 = arith.constant 3 : i32
      %mul3A_511 = arith.muli %add3A_234, %mul3A_510 : i32
      %add3A_512 = arith.constant 1 : i32
      %add3A_513 = arith.addi %mul3A_511, %add3A_512 : i32
      %add3A_514 = arith.constant 3 : i32
      %add3A_515 = arith.addi %add3A_513, %add3A_514 : i32
      %mul3A_516 = arith.constant 2 : i32
      %mul3A_517 = arith.muli %add3A_515, %mul3A_516 : i32
      %add3A_518 = arith.constant 0 : i32
      %add3A_519 = arith.addi %mul3A_517, %add3A_518 : i32
      %dma_start3A_520 = arith.constant 0 : i32
      %dma_start3A_521 = arith.constant 0 : i32
      %dma_start3A_522 = tpu.memref_slice %arg8[%dma_start3A_520, %dma_start3A_521] : memref<256x64xf32, #tpu.memory_space<vmem>> -> memref<128x64xf32, #tpu.memory_space<vmem>>
      %dma_start3A_523 = arith.constant 0 : i32
      %dma_start3A_524 = tpu.memref_slice %arg6[%add3A_519, %dma_start3A_523] : memref<216x128xi32, #tpu.memory_space<vmem>> -> memref<1x128xi32, #tpu.memory_space<vmem>>
      %dma_start3A_525 = tpu.memref_squeeze %dma_start3A_524 : memref<1x128xi32, #tpu.memory_space<vmem>> -> memref<128xi32, #tpu.memory_space<vmem>>
      %dma_start3A_526 = arith.constant 0 : i32
      %dma_start3A_527 = arith.constant 0 : i32
      %dma_start3A_528 = tpu.memref_slice %arg5[%dma_start3A_526, %dma_start3A_527] : memref<8448x64xf32, #tpu.memory_space<vmem_shared>> -> memref<8448x64xf32, #tpu.memory_space<vmem_shared>>
      tpu.enqueue_indirect_dma source(%dma_start3A_528 : memref<8448x64xf32, #tpu.memory_space<vmem_shared>>) target(%dma_start3A_522 : memref<128x64xf32, #tpu.memory_space<vmem>>) offsets(%dma_start3A_525 : memref<128xi32, #tpu.memory_space<vmem>>) semaphore(%arg11 : memref<!tpu.dma_semaphore, #tpu.memory_space<semaphore_mem>>)
      %mul3A_529 = arith.constant 2 : i32
      %mul3A_530 = arith.muli %add3A_515, %mul3A_529 : i32
      %add3A_531 = arith.constant 1 : i32
      %add3A_532 = arith.addi %mul3A_530, %add3A_531 : i32
      %dma_start3A_533 = arith.constant 128 : i32
      %dma_start3A_534 = arith.constant 0 : i32
      %dma_start3A_535 = tpu.memref_slice %arg8[%dma_start3A_533, %dma_start3A_534] : memref<256x64xf32, #tpu.memory_space<vmem>> -> memref<128x64xf32, #tpu.memory_space<vmem>>
      %dma_start3A_536 = arith.constant 0 : i32
      %dma_start3A_537 = tpu.memref_slice %arg6[%add3A_532, %dma_start3A_536] : memref<216x128xi32, #tpu.memory_space<vmem>> -> memref<1x128xi32, #tpu.memory_space<vmem>>
      %dma_start3A_538 = tpu.memref_squeeze %dma_start3A_537 : memref<1x128xi32, #tpu.memory_space<vmem>> -> memref<128xi32, #tpu.memory_space<vmem>>
      %dma_start3A_539 = arith.constant 0 : i32
      %dma_start3A_540 = arith.constant 0 : i32
      %dma_start3A_541 = tpu.memref_slice %arg5[%dma_start3A_539, %dma_start3A_540] : memref<8448x64xf32, #tpu.memory_space<vmem_shared>> -> memref<8448x64xf32, #tpu.memory_space<vmem_shared>>
      tpu.enqueue_indirect_dma source(%dma_start3A_541 : memref<8448x64xf32, #tpu.memory_space<vmem_shared>>) target(%dma_start3A_535 : memref<128x64xf32, #tpu.memory_space<vmem>>) offsets(%dma_start3A_538 : memref<128xi32, #tpu.memory_space<vmem>>) semaphore(%arg11 : memref<!tpu.dma_semaphore, #tpu.memory_space<semaphore_mem>>)
      %dma_wait3A_542 = arith.constant 0 : i32
      %dma_wait3A_543 = arith.constant 0 : i32
      %dma_wait3A_544 = tpu.memref_slice %arg2[%dma_wait3A_542, %dma_wait3A_543] : memref<16896x64xf32, #tpu.memory_space<hbm>> -> memref<256x64xf32, #tpu.memory_space<hbm>>
      %dma_wait3A_545 = arith.constant 0 : i32
      %dma_wait3A_546 = arith.constant 0 : i32
      %dma_wait3A_547 = tpu.memref_slice %arg2[%dma_wait3A_545, %dma_wait3A_546] : memref<16896x64xf32, #tpu.memory_space<hbm>> -> memref<256x64xf32, #tpu.memory_space<hbm>>
      tpu.wait_dma2 semaphore(%arg15 : memref<!tpu.dma_semaphore, #tpu.memory_space<semaphore_mem>>) src(%dma_wait3A_547 : memref<256x64xf32, #tpu.memory_space<hbm>>) dst(%arg9 : memref<256x64xf32, #tpu.memory_space<vmem>>)
      %mul3A_548 = arith.constant 3 : i32
      %mul3A_549 = arith.muli %add3A_234, %mul3A_548 : i32
      %add3A_550 = arith.constant 2 : i32
      %add3A_551 = arith.addi %mul3A_549, %add3A_550 : i32
      %add3A_552 = arith.constant 3 : i32
      %add3A_553 = arith.addi %add3A_551, %add3A_552 : i32
      %mul3A_554 = arith.constant 2 : i32
      %mul3A_555 = arith.muli %add3A_553, %mul3A_554 : i32
      %add3A_556 = arith.constant 0 : i32
      %add3A_557 = arith.addi %mul3A_555, %add3A_556 : i32
      %dma_start3A_558 = arith.constant 0 : i32
      %dma_start3A_559 = arith.constant 0 : i32
      %dma_start3A_560 = tpu.memref_slice %arg9[%dma_start3A_558, %dma_start3A_559] : memref<256x64xf32, #tpu.memory_space<vmem>> -> memref<128x64xf32, #tpu.memory_space<vmem>>
      %dma_start3A_561 = arith.constant 0 : i32
      %dma_start3A_562 = tpu.memref_slice %arg6[%add3A_557, %dma_start3A_561] : memref<216x128xi32, #tpu.memory_space<vmem>> -> memref<1x128xi32, #tpu.memory_space<vmem>>
      %dma_start3A_563 = tpu.memref_squeeze %dma_start3A_562 : memref<1x128xi32, #tpu.memory_space<vmem>> -> memref<128xi32, #tpu.memory_space<vmem>>
      %dma_start3A_564 = arith.constant 0 : i32
      %dma_start3A_565 = arith.constant 0 : i32
      %dma_start3A_566 = tpu.memref_slice %arg5[%dma_start3A_564, %dma_start3A_565] : memref<8448x64xf32, #tpu.memory_space<vmem_shared>> -> memref<8448x64xf32, #tpu.memory_space<vmem_shared>>
      tpu.enqueue_indirect_dma source(%dma_start3A_566 : memref<8448x64xf32, #tpu.memory_space<vmem_shared>>) target(%dma_start3A_560 : memref<128x64xf32, #tpu.memory_space<vmem>>) offsets(%dma_start3A_563 : memref<128xi32, #tpu.memory_space<vmem>>) semaphore(%arg12 : memref<!tpu.dma_semaphore, #tpu.memory_space<semaphore_mem>>)
      %mul3A_567 = arith.constant 2 : i32
      %mul3A_568 = arith.muli %add3A_553, %mul3A_567 : i32
      %add3A_569 = arith.constant 1 : i32
      %add3A_570 = arith.addi %mul3A_568, %add3A_569 : i32
      %dma_start3A_571 = arith.constant 128 : i32
      %dma_start3A_572 = arith.constant 0 : i32
      %dma_start3A_573 = tpu.memref_slice %arg9[%dma_start3A_571, %dma_start3A_572] : memref<256x64xf32, #tpu.memory_space<vmem>> -> memref<128x64xf32, #tpu.memory_space<vmem>>
      %dma_start3A_574 = arith.constant 0 : i32
      %dma_start3A_575 = tpu.memref_slice %arg6[%add3A_570, %dma_start3A_574] : memref<216x128xi32, #tpu.memory_space<vmem>> -> memref<1x128xi32, #tpu.memory_space<vmem>>
      %dma_start3A_576 = tpu.memref_squeeze %dma_start3A_575 : memref<1x128xi32, #tpu.memory_space<vmem>> -> memref<128xi32, #tpu.memory_space<vmem>>
      %dma_start3A_577 = arith.constant 0 : i32
      %dma_start3A_578 = arith.constant 0 : i32
      %dma_start3A_579 = tpu.memref_slice %arg5[%dma_start3A_577, %dma_start3A_578] : memref<8448x64xf32, #tpu.memory_space<vmem_shared>> -> memref<8448x64xf32, #tpu.memory_space<vmem_shared>>
      tpu.enqueue_indirect_dma source(%dma_start3A_579 : memref<8448x64xf32, #tpu.memory_space<vmem_shared>>) target(%dma_start3A_573 : memref<128x64xf32, #tpu.memory_space<vmem>>) offsets(%dma_start3A_576 : memref<128xi32, #tpu.memory_space<vmem>>) semaphore(%arg12 : memref<!tpu.dma_semaphore, #tpu.memory_space<semaphore_mem>>)
    }
    %scan3A_67 = arith.constant 35 : i32
    %dma_wait3A = arith.constant 0 : i32
    %dma_wait3A_68 = arith.constant 0 : i32
    %dma_wait3A_69 = tpu.memref_slice %arg2[%dma_wait3A, %dma_wait3A_68] : memref<16896x64xf32, #tpu.memory_space<hbm>> -> memref<256x64xf32, #tpu.memory_space<hbm>>
    %dma_wait3A_70 = arith.constant 0 : i32
    %dma_wait3A_71 = arith.constant 0 : i32
    %dma_wait3A_72 = tpu.memref_slice %arg2[%dma_wait3A_70, %dma_wait3A_71] : memref<16896x64xf32, #tpu.memory_space<hbm>> -> memref<256x64xf32, #tpu.memory_space<hbm>>
    tpu.wait_dma2 semaphore(%arg10 : memref<!tpu.dma_semaphore, #tpu.memory_space<semaphore_mem>>) src(%dma_wait3A_72 : memref<256x64xf32, #tpu.memory_space<hbm>>) dst(%arg7 : memref<256x64xf32, #tpu.memory_space<vmem>>)
    %rem3A = arith.constant 105 : i32
    %rem3A_73 = arith.constant 36 : i32
    %rem3A_74 = arith.remsi %rem3A, %rem3A_73 : i32
    %jit3A = arith.constant 4 : i32
    %div3A = arith.divsi %rem3A_74, %jit3A : i32
    %sign3A = arith.constant 0 : i32
    %sign3A_75 = arith.cmpi sgt, %rem3A_74, %sign3A : i32
    %sign3A_76 = arith.extui %sign3A_75 : i1 to i32
    %sign3A_77 = arith.constant 0 : i32
    %sign3A_78 = arith.cmpi slt, %rem3A_74, %sign3A_77 : i32
    %sign3A_79 = arith.extui %sign3A_78 : i1 to i32
    %sign3A_80 = arith.subi %sign3A_76, %sign3A_79 : i32
    %sign3A_81 = arith.constant 0 : i32
    %sign3A_82 = arith.cmpi sgt, %jit3A, %sign3A_81 : i32
    %sign3A_83 = arith.extui %sign3A_82 : i1 to i32
    %sign3A_84 = arith.constant 0 : i32
    %sign3A_85 = arith.cmpi slt, %jit3A, %sign3A_84 : i32
    %sign3A_86 = arith.extui %sign3A_85 : i1 to i32
    %sign3A_87 = arith.subi %sign3A_83, %sign3A_86 : i32
    %ne3A = arith.cmpi ne, %sign3A_80, %sign3A_87 : i32
    %rem3A_88 = arith.remsi %rem3A_74, %jit3A : i32
    %ne3A_89 = arith.constant 0 : i32
    %ne3A_90 = arith.cmpi ne, %rem3A_88, %ne3A_89 : i32
    %and3A = arith.andi %ne3A, %ne3A_90 : i1
    %sub3A = arith.constant 1 : i32
    %sub3A_91 = arith.subi %div3A, %sub3A : i32
    %select_n3A = arith.select %and3A, %sub3A_91, %div3A : i32
    %rem3A_92 = arith.constant 4 : i32
    %rem3A_93 = arith.remsi %rem3A_74, %rem3A_92 : i32
    %mul3A_94 = arith.constant 1024 : i32
    %mul3A_95 = arith.muli %arg1, %mul3A_94 : i32
    %mul3A_96 = arith.constant 256 : i32
    %mul3A_97 = arith.muli %rem3A_93, %mul3A_96 : i32
    %add3A_98 = arith.addi %mul3A_95, %mul3A_97 : i32
    %mul3A_99 = arith.constant 3 : i32
    %mul3A_100 = arith.muli %arg0, %mul3A_99 : i32
    %add3A_101 = arith.constant 2 : i32
    %add3A_102 = arith.addi %mul3A_100, %add3A_101 : i32
    %dma_start3A_103 = arith.constant 0 : i32
    %dma_start3A_104 = arith.constant 0 : i32
    %dma_start3A_105 = tpu.memref_slice %arg4[%dma_start3A_103, %add3A_102, %add3A_98, %select_n3A, %dma_start3A_104] : memref<1x6x16384x9x64xf32, #tpu.memory_space<hbm>> -> memref<1x1x256x1x64xf32, #tpu.memory_space<hbm>>
    %dma_start3A_106 = tpu.memref_squeeze %dma_start3A_105 : memref<1x1x256x1x64xf32, #tpu.memory_space<hbm>> -> memref<256x64xf32, #tpu.memory_space<hbm>>
    %dma_start3A_107 = arith.constant 0 : i32
    %dma_start3A_108 = tpu.memref_slice %arg4[%dma_start3A_103, %add3A_102, %add3A_98, %select_n3A, %dma_start3A_107] : memref<1x6x16384x9x64xf32, #tpu.memory_space<hbm>> -> memref<1x1x256x1x64xf32, #tpu.memory_space<hbm>>
    %dma_start3A_109 = tpu.memref_squeeze %dma_start3A_108 : memref<1x1x256x1x64xf32, #tpu.memory_space<hbm>> -> memref<256x64xf32, #tpu.memory_space<hbm>>
    tpu.enqueue_dma source(%arg7 : memref<256x64xf32, #tpu.memory_space<vmem>>) target(%dma_start3A_109 : memref<256x64xf32, #tpu.memory_space<hbm>>) target_semaphore(%arg13 : memref<!tpu.dma_semaphore, #tpu.memory_space<semaphore_mem>>)
    %dma_wait3A_110 = arith.constant 0 : i32
    %dma_wait3A_111 = arith.constant 0 : i32
    %dma_wait3A_112 = tpu.memref_slice %arg2[%dma_wait3A_110, %dma_wait3A_111] : memref<16896x64xf32, #tpu.memory_space<hbm>> -> memref<256x64xf32, #tpu.memory_space<hbm>>
    %dma_wait3A_113 = arith.constant 0 : i32
    %dma_wait3A_114 = arith.constant 0 : i32
    %dma_wait3A_115 = tpu.memref_slice %arg2[%dma_wait3A_113, %dma_wait3A_114] : memref<16896x64xf32, #tpu.memory_space<hbm>> -> memref<256x64xf32, #tpu.memory_space<hbm>>
    tpu.wait_dma2 semaphore(%arg11 : memref<!tpu.dma_semaphore, #tpu.memory_space<semaphore_mem>>) src(%dma_wait3A_115 : memref<256x64xf32, #tpu.memory_space<hbm>>) dst(%arg8 : memref<256x64xf32, #tpu.memory_space<vmem>>)
    %rem3A_116 = arith.constant 106 : i32
    %rem3A_117 = arith.constant 36 : i32
    %rem3A_118 = arith.remsi %rem3A_116, %rem3A_117 : i32
    %jit3A_119 = arith.constant 4 : i32
    %div3A_120 = arith.divsi %rem3A_118, %jit3A_119 : i32
    %sign3A_121 = arith.constant 0 : i32
    %sign3A_122 = arith.cmpi sgt, %rem3A_118, %sign3A_121 : i32
    %sign3A_123 = arith.extui %sign3A_122 : i1 to i32
    %sign3A_124 = arith.constant 0 : i32
    %sign3A_125 = arith.cmpi slt, %rem3A_118, %sign3A_124 : i32
    %sign3A_126 = arith.extui %sign3A_125 : i1 to i32
    %sign3A_127 = arith.subi %sign3A_123, %sign3A_126 : i32
    %sign3A_128 = arith.constant 0 : i32
    %sign3A_129 = arith.cmpi sgt, %jit3A_119, %sign3A_128 : i32
    %sign3A_130 = arith.extui %sign3A_129 : i1 to i32
    %sign3A_131 = arith.constant 0 : i32
    %sign3A_132 = arith.cmpi slt, %jit3A_119, %sign3A_131 : i32
    %sign3A_133 = arith.extui %sign3A_132 : i1 to i32
    %sign3A_134 = arith.subi %sign3A_130, %sign3A_133 : i32
    %ne3A_135 = arith.cmpi ne, %sign3A_127, %sign3A_134 : i32
    %rem3A_136 = arith.remsi %rem3A_118, %jit3A_119 : i32
    %ne3A_137 = arith.constant 0 : i32
    %ne3A_138 = arith.cmpi ne, %rem3A_136, %ne3A_137 : i32
    %and3A_139 = arith.andi %ne3A_135, %ne3A_138 : i1
    %sub3A_140 = arith.constant 1 : i32
    %sub3A_141 = arith.subi %div3A_120, %sub3A_140 : i32
    %select_n3A_142 = arith.select %and3A_139, %sub3A_141, %div3A_120 : i32
    %rem3A_143 = arith.constant 4 : i32
    %rem3A_144 = arith.remsi %rem3A_118, %rem3A_143 : i32
    %mul3A_145 = arith.constant 1024 : i32
    %mul3A_146 = arith.muli %arg1, %mul3A_145 : i32
    %mul3A_147 = arith.constant 256 : i32
    %mul3A_148 = arith.muli %rem3A_144, %mul3A_147 : i32
    %add3A_149 = arith.addi %mul3A_146, %mul3A_148 : i32
    %mul3A_150 = arith.constant 3 : i32
    %mul3A_151 = arith.muli %arg0, %mul3A_150 : i32
    %add3A_152 = arith.constant 2 : i32
    %add3A_153 = arith.addi %mul3A_151, %add3A_152 : i32
    %dma_start3A_154 = arith.constant 0 : i32
    %dma_start3A_155 = arith.constant 0 : i32
    %dma_start3A_156 = tpu.memref_slice %arg4[%dma_start3A_154, %add3A_153, %add3A_149, %select_n3A_142, %dma_start3A_155] : memref<1x6x16384x9x64xf32, #tpu.memory_space<hbm>> -> memref<1x1x256x1x64xf32, #tpu.memory_space<hbm>>
    %dma_start3A_157 = tpu.memref_squeeze %dma_start3A_156 : memref<1x1x256x1x64xf32, #tpu.memory_space<hbm>> -> memref<256x64xf32, #tpu.memory_space<hbm>>
    %dma_start3A_158 = arith.constant 0 : i32
    %dma_start3A_159 = tpu.memref_slice %arg4[%dma_start3A_154, %add3A_153, %add3A_149, %select_n3A_142, %dma_start3A_158] : memref<1x6x16384x9x64xf32, #tpu.memory_space<hbm>> -> memref<1x1x256x1x64xf32, #tpu.memory_space<hbm>>
    %dma_start3A_160 = tpu.memref_squeeze %dma_start3A_159 : memref<1x1x256x1x64xf32, #tpu.memory_space<hbm>> -> memref<256x64xf32, #tpu.memory_space<hbm>>
    tpu.enqueue_dma source(%arg8 : memref<256x64xf32, #tpu.memory_space<vmem>>) target(%dma_start3A_160 : memref<256x64xf32, #tpu.memory_space<hbm>>) target_semaphore(%arg14 : memref<!tpu.dma_semaphore, #tpu.memory_space<semaphore_mem>>)
    %dma_wait3A_161 = arith.constant 0 : i32
    %dma_wait3A_162 = arith.constant 0 : i32
    %dma_wait3A_163 = tpu.memref_slice %arg2[%dma_wait3A_161, %dma_wait3A_162] : memref<16896x64xf32, #tpu.memory_space<hbm>> -> memref<256x64xf32, #tpu.memory_space<hbm>>
    %dma_wait3A_164 = arith.constant 0 : i32
    %dma_wait3A_165 = arith.constant 0 : i32
    %dma_wait3A_166 = tpu.memref_slice %arg2[%dma_wait3A_164, %dma_wait3A_165] : memref<16896x64xf32, #tpu.memory_space<hbm>> -> memref<256x64xf32, #tpu.memory_space<hbm>>
    tpu.wait_dma2 semaphore(%arg12 : memref<!tpu.dma_semaphore, #tpu.memory_space<semaphore_mem>>) src(%dma_wait3A_166 : memref<256x64xf32, #tpu.memory_space<hbm>>) dst(%arg9 : memref<256x64xf32, #tpu.memory_space<vmem>>)
    %rem3A_167 = arith.constant 107 : i32
    %rem3A_168 = arith.constant 36 : i32
    %rem3A_169 = arith.remsi %rem3A_167, %rem3A_168 : i32
    %jit3A_170 = arith.constant 4 : i32
    %div3A_171 = arith.divsi %rem3A_169, %jit3A_170 : i32
    %sign3A_172 = arith.constant 0 : i32
    %sign3A_173 = arith.cmpi sgt, %rem3A_169, %sign3A_172 : i32
    %sign3A_174 = arith.extui %sign3A_173 : i1 to i32
    %sign3A_175 = arith.constant 0 : i32
    %sign3A_176 = arith.cmpi slt, %rem3A_169, %sign3A_175 : i32
    %sign3A_177 = arith.extui %sign3A_176 : i1 to i32
    %sign3A_178 = arith.subi %sign3A_174, %sign3A_177 : i32
    %sign3A_179 = arith.constant 0 : i32
    %sign3A_180 = arith.cmpi sgt, %jit3A_170, %sign3A_179 : i32
    %sign3A_181 = arith.extui %sign3A_180 : i1 to i32
    %sign3A_182 = arith.constant 0 : i32
    %sign3A_183 = arith.cmpi slt, %jit3A_170, %sign3A_182 : i32
    %sign3A_184 = arith.extui %sign3A_183 : i1 to i32
    %sign3A_185 = arith.subi %sign3A_181, %sign3A_184 : i32
    %ne3A_186 = arith.cmpi ne, %sign3A_178, %sign3A_185 : i32
    %rem3A_187 = arith.remsi %rem3A_169, %jit3A_170 : i32
    %ne3A_188 = arith.constant 0 : i32
    %ne3A_189 = arith.cmpi ne, %rem3A_187, %ne3A_188 : i32
    %and3A_190 = arith.andi %ne3A_186, %ne3A_189 : i1
    %sub3A_191 = arith.constant 1 : i32
    %sub3A_192 = arith.subi %div3A_171, %sub3A_191 : i32
    %select_n3A_193 = arith.select %and3A_190, %sub3A_192, %div3A_171 : i32
    %rem3A_194 = arith.constant 4 : i32
    %rem3A_195 = arith.remsi %rem3A_169, %rem3A_194 : i32
    %mul3A_196 = arith.constant 1024 : i32
    %mul3A_197 = arith.muli %arg1, %mul3A_196 : i32
    %mul3A_198 = arith.constant 256 : i32
    %mul3A_199 = arith.muli %rem3A_195, %mul3A_198 : i32
    %add3A_200 = arith.addi %mul3A_197, %mul3A_199 : i32
    %mul3A_201 = arith.constant 3 : i32
    %mul3A_202 = arith.muli %arg0, %mul3A_201 : i32
    %add3A_203 = arith.constant 2 : i32
    %add3A_204 = arith.addi %mul3A_202, %add3A_203 : i32
    %dma_start3A_205 = arith.constant 0 : i32
    %dma_start3A_206 = arith.constant 0 : i32
    %dma_start3A_207 = tpu.memref_slice %arg4[%dma_start3A_205, %add3A_204, %add3A_200, %select_n3A_193, %dma_start3A_206] : memref<1x6x16384x9x64xf32, #tpu.memory_space<hbm>> -> memref<1x1x256x1x64xf32, #tpu.memory_space<hbm>>
    %dma_start3A_208 = tpu.memref_squeeze %dma_start3A_207 : memref<1x1x256x1x64xf32, #tpu.memory_space<hbm>> -> memref<256x64xf32, #tpu.memory_space<hbm>>
    %dma_start3A_209 = arith.constant 0 : i32
    %dma_start3A_210 = tpu.memref_slice %arg4[%dma_start3A_205, %add3A_204, %add3A_200, %select_n3A_193, %dma_start3A_209] : memref<1x6x16384x9x64xf32, #tpu.memory_space<hbm>> -> memref<1x1x256x1x64xf32, #tpu.memory_space<hbm>>
    %dma_start3A_211 = tpu.memref_squeeze %dma_start3A_210 : memref<1x1x256x1x64xf32, #tpu.memory_space<hbm>> -> memref<256x64xf32, #tpu.memory_space<hbm>>
    tpu.enqueue_dma source(%arg9 : memref<256x64xf32, #tpu.memory_space<vmem>>) target(%dma_start3A_211 : memref<256x64xf32, #tpu.memory_space<hbm>>) target_semaphore(%arg15 : memref<!tpu.dma_semaphore, #tpu.memory_space<semaphore_mem>>)
    %dma_wait3A_212 = arith.constant 0 : i32
    %dma_wait3A_213 = arith.constant 0 : i32
    %dma_wait3A_214 = tpu.memref_slice %arg2[%dma_wait3A_212, %dma_wait3A_213] : memref<16896x64xf32, #tpu.memory_space<hbm>> -> memref<256x64xf32, #tpu.memory_space<hbm>>
    %dma_wait3A_215 = arith.constant 0 : i32
    %dma_wait3A_216 = arith.constant 0 : i32
    %dma_wait3A_217 = tpu.memref_slice %arg2[%dma_wait3A_215, %dma_wait3A_216] : memref<16896x64xf32, #tpu.memory_space<hbm>> -> memref<256x64xf32, #tpu.memory_space<hbm>>
    tpu.wait_dma2 semaphore(%arg13 : memref<!tpu.dma_semaphore, #tpu.memory_space<semaphore_mem>>) src(%dma_wait3A_217 : memref<256x64xf32, #tpu.memory_space<hbm>>) dst(%arg7 : memref<256x64xf32, #tpu.memory_space<vmem>>)
    %dma_wait3A_218 = arith.constant 0 : i32
    %dma_wait3A_219 = arith.constant 0 : i32
    %dma_wait3A_220 = tpu.memref_slice %arg2[%dma_wait3A_218, %dma_wait3A_219] : memref<16896x64xf32, #tpu.memory_space<hbm>> -> memref<256x64xf32, #tpu.memory_space<hbm>>
    %dma_wait3A_221 = arith.constant 0 : i32
    %dma_wait3A_222 = arith.constant 0 : i32
    %dma_wait3A_223 = tpu.memref_slice %arg2[%dma_wait3A_221, %dma_wait3A_222] : memref<16896x64xf32, #tpu.memory_space<hbm>> -> memref<256x64xf32, #tpu.memory_space<hbm>>
    tpu.wait_dma2 semaphore(%arg14 : memref<!tpu.dma_semaphore, #tpu.memory_space<semaphore_mem>>) src(%dma_wait3A_223 : memref<256x64xf32, #tpu.memory_space<hbm>>) dst(%arg8 : memref<256x64xf32, #tpu.memory_space<vmem>>)
    %dma_wait3A_224 = arith.constant 0 : i32
    %dma_wait3A_225 = arith.constant 0 : i32
    %dma_wait3A_226 = tpu.memref_slice %arg2[%dma_wait3A_224, %dma_wait3A_225] : memref<16896x64xf32, #tpu.memory_space<hbm>> -> memref<256x64xf32, #tpu.memory_space<hbm>>
    %dma_wait3A_227 = arith.constant 0 : i32
    %dma_wait3A_228 = arith.constant 0 : i32
    %dma_wait3A_229 = tpu.memref_slice %arg2[%dma_wait3A_227, %dma_wait3A_228] : memref<16896x64xf32, #tpu.memory_space<hbm>> -> memref<256x64xf32, #tpu.memory_space<hbm>>
    tpu.wait_dma2 semaphore(%arg15 : memref<!tpu.dma_semaphore, #tpu.memory_space<semaphore_mem>>) src(%dma_wait3A_229 : memref<256x64xf32, #tpu.memory_space<hbm>>) dst(%arg9 : memref<256x64xf32, #tpu.memory_space<vmem>>)
    return
  }
}

module attributes {stable_mosaic.version = 14 : i64} {
  func.func @_tc_index_body(%arg0: i32, %arg1: memref<1x4x4xf32, #tpu.memory_space<vmem>>, %arg2: memref<1x4x4xf32, #tpu.memory_space<vmem>>, %arg3: memref<16384x4xf32, #tpu.memory_space<vmem>>, %arg4: memref<1x64x2816xf32, #tpu.memory_space<vmem>>, %arg5: memref<1x16x1x9x8x128xi32, #tpu.memory_space<vmem>>, %arg6: memref<1x1x16384xi32, #tpu.memory_space<vmem>>, %arg7: memref<1x2816x64xf32, #tpu.memory_space<vmem>>) attributes {dimension_semantics = [#tpu.dimension_semantics<arbitrary>], iteration_bounds = array<i64: 6>, scalar_prefetch = 0 : i64, scratch_operands = 0 : i64, tpu.core_type = #tpu.core_type<tc>, window_params = [{transform_indices = @transform_0, window_bounds = array<i64: 1, 4, 4>}, {transform_indices = @transform_1, window_bounds = array<i64: 1, 4, 4>}, {pipeline_mode = #tpu.pipeline_mode<synchronous>, transform_indices = @transform_2, window_bounds = array<i64: 16384, 4>}, {transform_indices = @transform_3, window_bounds = array<i64: 1, 64, 2816>}, {transform_indices = @transform_4, window_bounds = array<i64: 1, 16, 1, 9, 8, 128>}, {transform_indices = @transform_5, window_bounds = array<i64: 1, 1, 16384>}, {transform_indices = @transform_6, window_bounds = array<i64: 1, 2816, 64>}]} {
    %get3A = arith.constant 0 : index
    %get3A_0 = arith.constant 0 : index
    %get3A_1 = arith.constant 0 : index
    %get3A_2 = vector.load %arg4[%get3A, %get3A_0, %get3A_1] : memref<1x64x2816xf32, #tpu.memory_space<vmem>>, vector<1x64x2816xf32>
    %get3A_3 = vector.shape_cast %get3A_2 : vector<1x64x2816xf32> to vector<64x2816xf32>
    %transpose3A = tpu.transpose %get3A_3, [1, 0] : vector<64x2816xf32> -> vector<2816x64xf32>
    %swap3A = arith.constant 0 : index
    %swap3A_4 = arith.constant 0 : index
    %swap3A_5 = arith.constant 0 : index
    %swap3A_6 = vector.load %arg7[%swap3A, %swap3A_4, %swap3A_5] : memref<1x2816x64xf32, #tpu.memory_space<vmem>>, vector<1x2816x64xf32>
    %swap3A_7 = vector.shape_cast %swap3A_6 : vector<1x2816x64xf32> to vector<2816x64xf32>
    %swap3A_8 = vector.shape_cast %transpose3A : vector<2816x64xf32> to vector<1x2816x64xf32>
    tpu.vector_store %arg7[%swap3A, %swap3A_4, %swap3A_5], %swap3A_8 {strides = array<i32>} : memref<1x2816x64xf32, #tpu.memory_space<vmem>>, vector<1x2816x64xf32>,
    %get3A_9 = arith.constant 0 : index
    %get3A_10 = arith.constant 0 : index
    %get3A_11 = arith.constant 0 : index
    %get3A_12 = vector.load %arg1[%get3A_9, %get3A_10, %get3A_11] : memref<1x4x4xf32, #tpu.memory_space<vmem>>, vector<1x4x4xf32>
    %get3A_13 = vector.shape_cast %get3A_12 : vector<1x4x4xf32> to vector<4x4xf32>
    %get3A_14 = arith.constant 0 : index
    %get3A_15 = arith.constant 0 : index
    %get3A_16 = arith.constant 0 : index
    %get3A_17 = vector.load %arg2[%get3A_14, %get3A_15, %get3A_16] : memref<1x4x4xf32, #tpu.memory_space<vmem>>, vector<1x4x4xf32>
    %get3A_18 = vector.shape_cast %get3A_17 : vector<1x4x4xf32> to vector<4x4xf32>
    %dot_general3A = arith.constant dense<0.000000e+00> : vector<4x4xf32>
    %dot_general3A_19 = tpu.matmul %get3A_13, %get3A_18, %dot_general3A {dimension_numbers = #tpu.dot_dimension_numbers<[1], [0], [0], [1], [0, 0, 1, 1], [], []>, transpose_lhs_hint = false} : vector<4x4xf32>, vector<4x4xf32>, vector<4x4xf32> -> vector<4x4xf32>
    %get3A_20 = arith.constant 0 : index
    %get3A_21 = arith.constant 0 : index
    %get3A_22 = vector.load %arg3[%get3A_20, %get3A_21] : memref<16384x4xf32, #tpu.memory_space<vmem>>, vector<16384x4xf32>
    %dot_general3A_23 = arith.constant dense<0.000000e+00> : vector<4x16384xf32>
    %dot_general3A_24 = tpu.matmul %dot_general3A_19, %get3A_22, %dot_general3A_23 {dimension_numbers = #tpu.dot_dimension_numbers<[1], [1], [0], [0], [0, 0, 1, 0], [], []>, transpose_lhs_hint = false} : vector<4x4xf32>, vector<16384x4xf32>, vector<4x16384xf32> -> vector<4x16384xf32>
    %slice3A = vector.extract_strided_slice %dot_general3A_24 {offsets = [0, 0], sizes = [1, 16384], strides = [1, 1]} : vector<4x16384xf32> to vector<1x16384xf32>
    %slice3A_25 = vector.extract_strided_slice %dot_general3A_24 {offsets = [1, 0], sizes = [1, 16384], strides = [1, 1]} : vector<4x16384xf32> to vector<1x16384xf32>
    %slice3A_26 = vector.extract_strided_slice %dot_general3A_24 {offsets = [2, 0], sizes = [1, 16384], strides = [1, 1]} : vector<4x16384xf32> to vector<1x16384xf32>
    %max3A = arith.constant 9.99999974E-6 : f32
    %max3A_27 = vector.broadcast %max3A : f32 to vector<1x16384xf32>
    %max3A_28 = arith.maximumf %slice3A_26, %max3A_27 : vector<1x16384xf32>
    %div3A = arith.divf %slice3A, %max3A_28 : vector<1x16384xf32>
    %div3A_29 = arith.constant 7.040000e+02 : f32
    %div3A_30 = vector.broadcast %div3A_29 : f32 to vector<1x16384xf32>
    %div3A_31 = arith.divf %div3A, %div3A_30 : vector<1x16384xf32>
    %div3A_32 = arith.divf %slice3A_25, %max3A_28 : vector<1x16384xf32>
    %div3A_33 = arith.constant 2.560000e+02 : f32
    %div3A_34 = vector.broadcast %div3A_33 : f32 to vector<1x16384xf32>
    %div3A_35 = arith.divf %div3A_32, %div3A_34 : vector<1x16384xf32>
    %gt3A = arith.constant 9.99999974E-6 : f32
    %gt3A_36 = vector.broadcast %gt3A : f32 to vector<1x16384xf32>
    %gt3A_37 = arith.cmpf ogt, %slice3A_26, %gt3A_36 : vector<1x16384xf32>
    %gt3A_38 = arith.constant 0.000000e+00 : f32
    %gt3A_39 = vector.broadcast %gt3A_38 : f32 to vector<1x16384xf32>
    %gt3A_40 = arith.cmpf ogt, %div3A_31, %gt3A_39 : vector<1x16384xf32>
    %and3A = arith.andi %gt3A_37, %gt3A_40 : vector<1x16384xi1>
    %lt3A = arith.constant 1.000000e+00 : f32
    %lt3A_41 = vector.broadcast %lt3A : f32 to vector<1x16384xf32>
    %lt3A_42 = arith.cmpf olt, %div3A_31, %lt3A_41 : vector<1x16384xf32>
    %and3A_43 = arith.andi %and3A, %lt3A_42 : vector<1x16384xi1>
    %gt3A_44 = arith.constant 0.000000e+00 : f32
    %gt3A_45 = vector.broadcast %gt3A_44 : f32 to vector<1x16384xf32>
    %gt3A_46 = arith.cmpf ogt, %div3A_35, %gt3A_45 : vector<1x16384xf32>
    %and3A_47 = arith.andi %and3A_43, %gt3A_46 : vector<1x16384xi1>
    %lt3A_48 = arith.constant 1.000000e+00 : f32
    %lt3A_49 = vector.broadcast %lt3A_48 : f32 to vector<1x16384xf32>
    %lt3A_50 = arith.cmpf olt, %div3A_35, %lt3A_49 : vector<1x16384xf32>
    %and3A_51 = arith.andi %and3A_47, %lt3A_50 : vector<1x16384xi1>
    %swap3A_52 = arith.constant 0 : index
    %swap3A_53 = arith.constant 0 : index
    %swap3A_54 = arith.constant 0 : index
    %swap3A_55 = vector.load %arg6[%swap3A_52, %swap3A_53, %swap3A_54] : memref<1x1x16384xi32, #tpu.memory_space<vmem>>, vector<1x1x16384xi32>
    %swap3A_56 = arith.extui %and3A_51 : vector<1x16384xi1> to vector<1x16384xi32>
    %swap3A_57 = vector.shape_cast %swap3A_55 : vector<1x1x16384xi32> to vector<1x16384xi32>
    %swap3A_58 = vector.shape_cast %swap3A_56 : vector<1x16384xi32> to vector<1x1x16384xi32>
    %swap3A_59 = arith.constant dense<0> : vector<1x16384xi32>
    %swap3A_60 = arith.cmpi ne, %swap3A_57, %swap3A_59 : vector<1x16384xi32>
    tpu.vector_store %arg6[%swap3A_52, %swap3A_53, %swap3A_54], %swap3A_58 {strides = array<i32>} : memref<1x1x16384xi32, #tpu.memory_space<vmem>>, vector<1x1x16384xi32>,
    %mul3A = arith.constant 8.800000e+01 : f32
    %mul3A_61 = vector.broadcast %mul3A : f32 to vector<1x16384xf32>
    %mul3A_62 = arith.mulf %div3A_31, %mul3A_61 : vector<1x16384xf32>
    %round3A = math.roundeven %mul3A_62 : vector<1x16384xf32>
    %mul3A_63 = arith.constant 3.200000e+01 : f32
    %mul3A_64 = vector.broadcast %mul3A_63 : f32 to vector<1x16384xf32>
    %mul3A_65 = arith.mulf %div3A_35, %mul3A_64 : vector<1x16384xf32>
    %round3A_66 = math.roundeven %mul3A_65 : vector<1x16384xf32>
    %rem3A = arith.constant 3 : i32
    %rem3A_67 = arith.remsi %arg0, %rem3A : i32
    %mul3A_68 = arith.constant 2816 : i32
    %mul3A_69 = arith.muli %rem3A_67, %mul3A_68 : i32
    %convert_element_type3A = arith.sitofp %mul3A_69 : i32 to f32
    %add3A = arith.constant -1.000000e+00 : f32
    %add3A_70 = vector.broadcast %add3A : f32 to vector<1x16384xf32>
    %add3A_71 = arith.addf %round3A, %add3A_70 : vector<1x16384xf32>
    %jit3A = arith.constant 0.000000e+00 : f32
    %jit3A_72 = arith.constant 8.700000e+01 : f32
    %max3A_73 = vector.broadcast %jit3A : f32 to vector<1x16384xf32>
    %max3A_74 = arith.maximumf %max3A_73, %add3A_71 : vector<1x16384xf32>
    %min3A = vector.broadcast %jit3A_72 : f32 to vector<1x16384xf32>
    %min3A_75 = arith.minimumf %min3A, %max3A_74 : vector<1x16384xf32>
    %add3A_76 = arith.constant -1.000000e+00 : f32
    %add3A_77 = vector.broadcast %add3A_76 : f32 to vector<1x16384xf32>
    %add3A_78 = arith.addf %round3A_66, %add3A_77 : vector<1x16384xf32>
    %jit3A_79 = arith.constant 0.000000e+00 : f32
    %jit3A_80 = arith.constant 3.100000e+01 : f32
    %max3A_81 = vector.broadcast %jit3A_79 : f32 to vector<1x16384xf32>
    %max3A_82 = arith.maximumf %max3A_81, %add3A_78 : vector<1x16384xf32>
    %min3A_83 = vector.broadcast %jit3A_80 : f32 to vector<1x16384xf32>
    %min3A_84 = arith.minimumf %min3A_83, %max3A_82 : vector<1x16384xf32>
    %mul3A_85 = arith.constant 8.800000e+01 : f32
    %mul3A_86 = vector.broadcast %mul3A_85 : f32 to vector<1x16384xf32>
    %mul3A_87 = arith.mulf %min3A_84, %mul3A_86 : vector<1x16384xf32>
    %add3A_88 = arith.addf %min3A_75, %mul3A_87 : vector<1x16384xf32>
    %add3A_89 = vector.broadcast %convert_element_type3A : f32 to vector<1x16384xf32>
    %add3A_90 = arith.addf %add3A_88, %add3A_89 : vector<1x16384xf32>
    %convert_element_type3A_91 = arith.fptosi %add3A_90 : vector<1x16384xf32> to vector<1x16384xi32>
    %reshape3A = vector.shape_cast %convert_element_type3A_91 : vector<1x16384xi32> to vector<16x8x128xi32>
    %swap3A_92 = arith.constant 0 : index
    %swap3A_93 = arith.constant 0 : index
    %swap3A_94 = arith.constant 0 : index
    %swap3A_95 = arith.constant 0 : index
    %swap3A_96 = arith.constant 0 : index
    %swap3A_97 = arith.constant 0 : index
    %swap3A_98 = vector.load %arg5[%swap3A_92, %swap3A_93, %swap3A_94, %swap3A_95, %swap3A_96, %swap3A_97] : memref<1x16x1x9x8x128xi32, #tpu.memory_space<vmem>>, vector<1x16x1x1x8x128xi32>
    %swap3A_99 = vector.shape_cast %swap3A_98 : vector<1x16x1x1x8x128xi32> to vector<16x8x128xi32>
    %swap3A_100 = vector.shape_cast %reshape3A : vector<16x8x128xi32> to vector<1x16x1x1x8x128xi32>
    tpu.vector_store %arg5[%swap3A_92, %swap3A_93, %swap3A_94, %swap3A_95, %swap3A_96, %swap3A_97], %swap3A_100 {strides = array<i32>} : memref<1x16x1x9x8x128xi32, #tpu.memory_space<vmem>>, vector<1x16x1x1x8x128xi32>,
    %add3A_101 = arith.constant 0.000000e+00 : f32
    %add3A_102 = vector.broadcast %add3A_101 : f32 to vector<1x16384xf32>
    %add3A_103 = arith.addf %round3A, %add3A_102 : vector<1x16384xf32>
    %jit3A_104 = arith.constant 0.000000e+00 : f32
    %jit3A_105 = arith.constant 8.700000e+01 : f32
    %max3A_106 = vector.broadcast %jit3A_104 : f32 to vector<1x16384xf32>
    %max3A_107 = arith.maximumf %max3A_106, %add3A_103 : vector<1x16384xf32>
    %min3A_108 = vector.broadcast %jit3A_105 : f32 to vector<1x16384xf32>
    %min3A_109 = arith.minimumf %min3A_108, %max3A_107 : vector<1x16384xf32>
    %add3A_110 = arith.constant -1.000000e+00 : f32
    %add3A_111 = vector.broadcast %add3A_110 : f32 to vector<1x16384xf32>
    %add3A_112 = arith.addf %round3A_66, %add3A_111 : vector<1x16384xf32>
    %jit3A_113 = arith.constant 0.000000e+00 : f32
    %jit3A_114 = arith.constant 3.100000e+01 : f32
    %max3A_115 = vector.broadcast %jit3A_113 : f32 to vector<1x16384xf32>
    %max3A_116 = arith.maximumf %max3A_115, %add3A_112 : vector<1x16384xf32>
    %min3A_117 = vector.broadcast %jit3A_114 : f32 to vector<1x16384xf32>
    %min3A_118 = arith.minimumf %min3A_117, %max3A_116 : vector<1x16384xf32>
    %mul3A_119 = arith.constant 8.800000e+01 : f32
    %mul3A_120 = vector.broadcast %mul3A_119 : f32 to vector<1x16384xf32>
    %mul3A_121 = arith.mulf %min3A_118, %mul3A_120 : vector<1x16384xf32>
    %add3A_122 = arith.addf %min3A_109, %mul3A_121 : vector<1x16384xf32>
    %add3A_123 = vector.broadcast %convert_element_type3A : f32 to vector<1x16384xf32>
    %add3A_124 = arith.addf %add3A_122, %add3A_123 : vector<1x16384xf32>
    %convert_element_type3A_125 = arith.fptosi %add3A_124 : vector<1x16384xf32> to vector<1x16384xi32>
    %reshape3A_126 = vector.shape_cast %convert_element_type3A_125 : vector<1x16384xi32> to vector<16x8x128xi32>
    %swap3A_127 = arith.constant 0 : index
    %swap3A_128 = arith.constant 0 : index
    %swap3A_129 = arith.constant 0 : index
    %swap3A_130 = arith.constant 1 : index
    %swap3A_131 = arith.constant 0 : index
    %swap3A_132 = arith.constant 0 : index
    %swap3A_133 = vector.load %arg5[%swap3A_127, %swap3A_128, %swap3A_129, %swap3A_130, %swap3A_131, %swap3A_132] : memref<1x16x1x9x8x128xi32, #tpu.memory_space<vmem>>, vector<1x16x1x1x8x128xi32>
    %swap3A_134 = vector.shape_cast %swap3A_133 : vector<1x16x1x1x8x128xi32> to vector<16x8x128xi32>
    %swap3A_135 = vector.shape_cast %reshape3A_126 : vector<16x8x128xi32> to vector<1x16x1x1x8x128xi32>
    tpu.vector_store %arg5[%swap3A_127, %swap3A_128, %swap3A_129, %swap3A_130, %swap3A_131, %swap3A_132], %swap3A_135 {strides = array<i32>} : memref<1x16x1x9x8x128xi32, #tpu.memory_space<vmem>>, vector<1x16x1x1x8x128xi32>,
    %add3A_136 = arith.constant 1.000000e+00 : f32
    %add3A_137 = vector.broadcast %add3A_136 : f32 to vector<1x16384xf32>
    %add3A_138 = arith.addf %round3A, %add3A_137 : vector<1x16384xf32>
    %jit3A_139 = arith.constant 0.000000e+00 : f32
    %jit3A_140 = arith.constant 8.700000e+01 : f32
    %max3A_141 = vector.broadcast %jit3A_139 : f32 to vector<1x16384xf32>
    %max3A_142 = arith.maximumf %max3A_141, %add3A_138 : vector<1x16384xf32>
    %min3A_143 = vector.broadcast %jit3A_140 : f32 to vector<1x16384xf32>
    %min3A_144 = arith.minimumf %min3A_143, %max3A_142 : vector<1x16384xf32>
    %add3A_145 = arith.constant -1.000000e+00 : f32
    %add3A_146 = vector.broadcast %add3A_145 : f32 to vector<1x16384xf32>
    %add3A_147 = arith.addf %round3A_66, %add3A_146 : vector<1x16384xf32>
    %jit3A_148 = arith.constant 0.000000e+00 : f32
    %jit3A_149 = arith.constant 3.100000e+01 : f32
    %max3A_150 = vector.broadcast %jit3A_148 : f32 to vector<1x16384xf32>
    %max3A_151 = arith.maximumf %max3A_150, %add3A_147 : vector<1x16384xf32>
    %min3A_152 = vector.broadcast %jit3A_149 : f32 to vector<1x16384xf32>
    %min3A_153 = arith.minimumf %min3A_152, %max3A_151 : vector<1x16384xf32>
    %mul3A_154 = arith.constant 8.800000e+01 : f32
    %mul3A_155 = vector.broadcast %mul3A_154 : f32 to vector<1x16384xf32>
    %mul3A_156 = arith.mulf %min3A_153, %mul3A_155 : vector<1x16384xf32>
    %add3A_157 = arith.addf %min3A_144, %mul3A_156 : vector<1x16384xf32>
    %add3A_158 = vector.broadcast %convert_element_type3A : f32 to vector<1x16384xf32>
    %add3A_159 = arith.addf %add3A_157, %add3A_158 : vector<1x16384xf32>
    %convert_element_type3A_160 = arith.fptosi %add3A_159 : vector<1x16384xf32> to vector<1x16384xi32>
    %reshape3A_161 = vector.shape_cast %convert_element_type3A_160 : vector<1x16384xi32> to vector<16x8x128xi32>
    %swap3A_162 = arith.constant 0 : index
    %swap3A_163 = arith.constant 0 : index
    %swap3A_164 = arith.constant 0 : index
    %swap3A_165 = arith.constant 2 : index
    %swap3A_166 = arith.constant 0 : index
    %swap3A_167 = arith.constant 0 : index
    %swap3A_168 = vector.load %arg5[%swap3A_162, %swap3A_163, %swap3A_164, %swap3A_165, %swap3A_166, %swap3A_167] : memref<1x16x1x9x8x128xi32, #tpu.memory_space<vmem>>, vector<1x16x1x1x8x128xi32>
    %swap3A_169 = vector.shape_cast %swap3A_168 : vector<1x16x1x1x8x128xi32> to vector<16x8x128xi32>
    %swap3A_170 = vector.shape_cast %reshape3A_161 : vector<16x8x128xi32> to vector<1x16x1x1x8x128xi32>
    tpu.vector_store %arg5[%swap3A_162, %swap3A_163, %swap3A_164, %swap3A_165, %swap3A_166, %swap3A_167], %swap3A_170 {strides = array<i32>} : memref<1x16x1x9x8x128xi32, #tpu.memory_space<vmem>>, vector<1x16x1x1x8x128xi32>,
    %add3A_171 = arith.constant -1.000000e+00 : f32
    %add3A_172 = vector.broadcast %add3A_171 : f32 to vector<1x16384xf32>
    %add3A_173 = arith.addf %round3A, %add3A_172 : vector<1x16384xf32>
    %jit3A_174 = arith.constant 0.000000e+00 : f32
    %jit3A_175 = arith.constant 8.700000e+01 : f32
    %max3A_176 = vector.broadcast %jit3A_174 : f32 to vector<1x16384xf32>
    %max3A_177 = arith.maximumf %max3A_176, %add3A_173 : vector<1x16384xf32>
    %min3A_178 = vector.broadcast %jit3A_175 : f32 to vector<1x16384xf32>
    %min3A_179 = arith.minimumf %min3A_178, %max3A_177 : vector<1x16384xf32>
    %add3A_180 = arith.constant 0.000000e+00 : f32
    %add3A_181 = vector.broadcast %add3A_180 : f32 to vector<1x16384xf32>
    %add3A_182 = arith.addf %round3A_66, %add3A_181 : vector<1x16384xf32>
    %jit3A_183 = arith.constant 0.000000e+00 : f32
    %jit3A_184 = arith.constant 3.100000e+01 : f32
    %max3A_185 = vector.broadcast %jit3A_183 : f32 to vector<1x16384xf32>
    %max3A_186 = arith.maximumf %max3A_185, %add3A_182 : vector<1x16384xf32>
    %min3A_187 = vector.broadcast %jit3A_184 : f32 to vector<1x16384xf32>
    %min3A_188 = arith.minimumf %min3A_187, %max3A_186 : vector<1x16384xf32>
    %mul3A_189 = arith.constant 8.800000e+01 : f32
    %mul3A_190 = vector.broadcast %mul3A_189 : f32 to vector<1x16384xf32>
    %mul3A_191 = arith.mulf %min3A_188, %mul3A_190 : vector<1x16384xf32>
    %add3A_192 = arith.addf %min3A_179, %mul3A_191 : vector<1x16384xf32>
    %add3A_193 = vector.broadcast %convert_element_type3A : f32 to vector<1x16384xf32>
    %add3A_194 = arith.addf %add3A_192, %add3A_193 : vector<1x16384xf32>
    %convert_element_type3A_195 = arith.fptosi %add3A_194 : vector<1x16384xf32> to vector<1x16384xi32>
    %reshape3A_196 = vector.shape_cast %convert_element_type3A_195 : vector<1x16384xi32> to vector<16x8x128xi32>
    %swap3A_197 = arith.constant 0 : index
    %swap3A_198 = arith.constant 0 : index
    %swap3A_199 = arith.constant 0 : index
    %swap3A_200 = arith.constant 3 : index
    %swap3A_201 = arith.constant 0 : index
    %swap3A_202 = arith.constant 0 : index
    %swap3A_203 = vector.load %arg5[%swap3A_197, %swap3A_198, %swap3A_199, %swap3A_200, %swap3A_201, %swap3A_202] : memref<1x16x1x9x8x128xi32, #tpu.memory_space<vmem>>, vector<1x16x1x1x8x128xi32>
    %swap3A_204 = vector.shape_cast %swap3A_203 : vector<1x16x1x1x8x128xi32> to vector<16x8x128xi32>
    %swap3A_205 = vector.shape_cast %reshape3A_196 : vector<16x8x128xi32> to vector<1x16x1x1x8x128xi32>
    tpu.vector_store %arg5[%swap3A_197, %swap3A_198, %swap3A_199, %swap3A_200, %swap3A_201, %swap3A_202], %swap3A_205 {strides = array<i32>} : memref<1x16x1x9x8x128xi32, #tpu.memory_space<vmem>>, vector<1x16x1x1x8x128xi32>,
    %add3A_206 = arith.constant 0.000000e+00 : f32
    %add3A_207 = vector.broadcast %add3A_206 : f32 to vector<1x16384xf32>
    %add3A_208 = arith.addf %round3A, %add3A_207 : vector<1x16384xf32>
    %jit3A_209 = arith.constant 0.000000e+00 : f32
    %jit3A_210 = arith.constant 8.700000e+01 : f32
    %max3A_211 = vector.broadcast %jit3A_209 : f32 to vector<1x16384xf32>
    %max3A_212 = arith.maximumf %max3A_211, %add3A_208 : vector<1x16384xf32>
    %min3A_213 = vector.broadcast %jit3A_210 : f32 to vector<1x16384xf32>
    %min3A_214 = arith.minimumf %min3A_213, %max3A_212 : vector<1x16384xf32>
    %add3A_215 = arith.constant 0.000000e+00 : f32
    %add3A_216 = vector.broadcast %add3A_215 : f32 to vector<1x16384xf32>
    %add3A_217 = arith.addf %round3A_66, %add3A_216 : vector<1x16384xf32>
    %jit3A_218 = arith.constant 0.000000e+00 : f32
    %jit3A_219 = arith.constant 3.100000e+01 : f32
    %max3A_220 = vector.broadcast %jit3A_218 : f32 to vector<1x16384xf32>
    %max3A_221 = arith.maximumf %max3A_220, %add3A_217 : vector<1x16384xf32>
    %min3A_222 = vector.broadcast %jit3A_219 : f32 to vector<1x16384xf32>
    %min3A_223 = arith.minimumf %min3A_222, %max3A_221 : vector<1x16384xf32>
    %mul3A_224 = arith.constant 8.800000e+01 : f32
    %mul3A_225 = vector.broadcast %mul3A_224 : f32 to vector<1x16384xf32>
    %mul3A_226 = arith.mulf %min3A_223, %mul3A_225 : vector<1x16384xf32>
    %add3A_227 = arith.addf %min3A_214, %mul3A_226 : vector<1x16384xf32>
    %add3A_228 = vector.broadcast %convert_element_type3A : f32 to vector<1x16384xf32>
    %add3A_229 = arith.addf %add3A_227, %add3A_228 : vector<1x16384xf32>
    %convert_element_type3A_230 = arith.fptosi %add3A_229 : vector<1x16384xf32> to vector<1x16384xi32>
    %reshape3A_231 = vector.shape_cast %convert_element_type3A_230 : vector<1x16384xi32> to vector<16x8x128xi32>
    %swap3A_232 = arith.constant 0 : index
    %swap3A_233 = arith.constant 0 : index
    %swap3A_234 = arith.constant 0 : index
    %swap3A_235 = arith.constant 4 : index
    %swap3A_236 = arith.constant 0 : index
    %swap3A_237 = arith.constant 0 : index
    %swap3A_238 = vector.load %arg5[%swap3A_232, %swap3A_233, %swap3A_234, %swap3A_235, %swap3A_236, %swap3A_237] : memref<1x16x1x9x8x128xi32, #tpu.memory_space<vmem>>, vector<1x16x1x1x8x128xi32>
    %swap3A_239 = vector.shape_cast %swap3A_238 : vector<1x16x1x1x8x128xi32> to vector<16x8x128xi32>
    %swap3A_240 = vector.shape_cast %reshape3A_231 : vector<16x8x128xi32> to vector<1x16x1x1x8x128xi32>
    tpu.vector_store %arg5[%swap3A_232, %swap3A_233, %swap3A_234, %swap3A_235, %swap3A_236, %swap3A_237], %swap3A_240 {strides = array<i32>} : memref<1x16x1x9x8x128xi32, #tpu.memory_space<vmem>>, vector<1x16x1x1x8x128xi32>,
    %add3A_241 = arith.constant 1.000000e+00 : f32
    %add3A_242 = vector.broadcast %add3A_241 : f32 to vector<1x16384xf32>
    %add3A_243 = arith.addf %round3A, %add3A_242 : vector<1x16384xf32>
    %jit3A_244 = arith.constant 0.000000e+00 : f32
    %jit3A_245 = arith.constant 8.700000e+01 : f32
    %max3A_246 = vector.broadcast %jit3A_244 : f32 to vector<1x16384xf32>
    %max3A_247 = arith.maximumf %max3A_246, %add3A_243 : vector<1x16384xf32>
    %min3A_248 = vector.broadcast %jit3A_245 : f32 to vector<1x16384xf32>
    %min3A_249 = arith.minimumf %min3A_248, %max3A_247 : vector<1x16384xf32>
    %add3A_250 = arith.constant 0.000000e+00 : f32
    %add3A_251 = vector.broadcast %add3A_250 : f32 to vector<1x16384xf32>
    %add3A_252 = arith.addf %round3A_66, %add3A_251 : vector<1x16384xf32>
    %jit3A_253 = arith.constant 0.000000e+00 : f32
    %jit3A_254 = arith.constant 3.100000e+01 : f32
    %max3A_255 = vector.broadcast %jit3A_253 : f32 to vector<1x16384xf32>
    %max3A_256 = arith.maximumf %max3A_255, %add3A_252 : vector<1x16384xf32>
    %min3A_257 = vector.broadcast %jit3A_254 : f32 to vector<1x16384xf32>
    %min3A_258 = arith.minimumf %min3A_257, %max3A_256 : vector<1x16384xf32>
    %mul3A_259 = arith.constant 8.800000e+01 : f32
    %mul3A_260 = vector.broadcast %mul3A_259 : f32 to vector<1x16384xf32>
    %mul3A_261 = arith.mulf %min3A_258, %mul3A_260 : vector<1x16384xf32>
    %add3A_262 = arith.addf %min3A_249, %mul3A_261 : vector<1x16384xf32>
    %add3A_263 = vector.broadcast %convert_element_type3A : f32 to vector<1x16384xf32>
    %add3A_264 = arith.addf %add3A_262, %add3A_263 : vector<1x16384xf32>
    %convert_element_type3A_265 = arith.fptosi %add3A_264 : vector<1x16384xf32> to vector<1x16384xi32>
    %reshape3A_266 = vector.shape_cast %convert_element_type3A_265 : vector<1x16384xi32> to vector<16x8x128xi32>
    %swap3A_267 = arith.constant 0 : index
    %swap3A_268 = arith.constant 0 : index
    %swap3A_269 = arith.constant 0 : index
    %swap3A_270 = arith.constant 5 : index
    %swap3A_271 = arith.constant 0 : index
    %swap3A_272 = arith.constant 0 : index
    %swap3A_273 = vector.load %arg5[%swap3A_267, %swap3A_268, %swap3A_269, %swap3A_270, %swap3A_271, %swap3A_272] : memref<1x16x1x9x8x128xi32, #tpu.memory_space<vmem>>, vector<1x16x1x1x8x128xi32>
    %swap3A_274 = vector.shape_cast %swap3A_273 : vector<1x16x1x1x8x128xi32> to vector<16x8x128xi32>
    %swap3A_275 = vector.shape_cast %reshape3A_266 : vector<16x8x128xi32> to vector<1x16x1x1x8x128xi32>
    tpu.vector_store %arg5[%swap3A_267, %swap3A_268, %swap3A_269, %swap3A_270, %swap3A_271, %swap3A_272], %swap3A_275 {strides = array<i32>} : memref<1x16x1x9x8x128xi32, #tpu.memory_space<vmem>>, vector<1x16x1x1x8x128xi32>,
    %add3A_276 = arith.constant -1.000000e+00 : f32
    %add3A_277 = vector.broadcast %add3A_276 : f32 to vector<1x16384xf32>
    %add3A_278 = arith.addf %round3A, %add3A_277 : vector<1x16384xf32>
    %jit3A_279 = arith.constant 0.000000e+00 : f32
    %jit3A_280 = arith.constant 8.700000e+01 : f32
    %max3A_281 = vector.broadcast %jit3A_279 : f32 to vector<1x16384xf32>
    %max3A_282 = arith.maximumf %max3A_281, %add3A_278 : vector<1x16384xf32>
    %min3A_283 = vector.broadcast %jit3A_280 : f32 to vector<1x16384xf32>
    %min3A_284 = arith.minimumf %min3A_283, %max3A_282 : vector<1x16384xf32>
    %add3A_285 = arith.constant 1.000000e+00 : f32
    %add3A_286 = vector.broadcast %add3A_285 : f32 to vector<1x16384xf32>
    %add3A_287 = arith.addf %round3A_66, %add3A_286 : vector<1x16384xf32>
    %jit3A_288 = arith.constant 0.000000e+00 : f32
    %jit3A_289 = arith.constant 3.100000e+01 : f32
    %max3A_290 = vector.broadcast %jit3A_288 : f32 to vector<1x16384xf32>
    %max3A_291 = arith.maximumf %max3A_290, %add3A_287 : vector<1x16384xf32>
    %min3A_292 = vector.broadcast %jit3A_289 : f32 to vector<1x16384xf32>
    %min3A_293 = arith.minimumf %min3A_292, %max3A_291 : vector<1x16384xf32>
    %mul3A_294 = arith.constant 8.800000e+01 : f32
    %mul3A_295 = vector.broadcast %mul3A_294 : f32 to vector<1x16384xf32>
    %mul3A_296 = arith.mulf %min3A_293, %mul3A_295 : vector<1x16384xf32>
    %add3A_297 = arith.addf %min3A_284, %mul3A_296 : vector<1x16384xf32>
    %add3A_298 = vector.broadcast %convert_element_type3A : f32 to vector<1x16384xf32>
    %add3A_299 = arith.addf %add3A_297, %add3A_298 : vector<1x16384xf32>
    %convert_element_type3A_300 = arith.fptosi %add3A_299 : vector<1x16384xf32> to vector<1x16384xi32>
    %reshape3A_301 = vector.shape_cast %convert_element_type3A_300 : vector<1x16384xi32> to vector<16x8x128xi32>
    %swap3A_302 = arith.constant 0 : index
    %swap3A_303 = arith.constant 0 : index
    %swap3A_304 = arith.constant 0 : index
    %swap3A_305 = arith.constant 6 : index
    %swap3A_306 = arith.constant 0 : index
    %swap3A_307 = arith.constant 0 : index
    %swap3A_308 = vector.load %arg5[%swap3A_302, %swap3A_303, %swap3A_304, %swap3A_305, %swap3A_306, %swap3A_307] : memref<1x16x1x9x8x128xi32, #tpu.memory_space<vmem>>, vector<1x16x1x1x8x128xi32>
    %swap3A_309 = vector.shape_cast %swap3A_308 : vector<1x16x1x1x8x128xi32> to vector<16x8x128xi32>
    %swap3A_310 = vector.shape_cast %reshape3A_301 : vector<16x8x128xi32> to vector<1x16x1x1x8x128xi32>
    tpu.vector_store %arg5[%swap3A_302, %swap3A_303, %swap3A_304, %swap3A_305, %swap3A_306, %swap3A_307], %swap3A_310 {strides = array<i32>} : memref<1x16x1x9x8x128xi32, #tpu.memory_space<vmem>>, vector<1x16x1x1x8x128xi32>,
    %add3A_311 = arith.constant 0.000000e+00 : f32
    %add3A_312 = vector.broadcast %add3A_311 : f32 to vector<1x16384xf32>
    %add3A_313 = arith.addf %round3A, %add3A_312 : vector<1x16384xf32>
    %jit3A_314 = arith.constant 0.000000e+00 : f32
    %jit3A_315 = arith.constant 8.700000e+01 : f32
    %max3A_316 = vector.broadcast %jit3A_314 : f32 to vector<1x16384xf32>
    %max3A_317 = arith.maximumf %max3A_316, %add3A_313 : vector<1x16384xf32>
    %min3A_318 = vector.broadcast %jit3A_315 : f32 to vector<1x16384xf32>
    %min3A_319 = arith.minimumf %min3A_318, %max3A_317 : vector<1x16384xf32>
    %add3A_320 = arith.constant 1.000000e+00 : f32
    %add3A_321 = vector.broadcast %add3A_320 : f32 to vector<1x16384xf32>
    %add3A_322 = arith.addf %round3A_66, %add3A_321 : vector<1x16384xf32>
    %jit3A_323 = arith.constant 0.000000e+00 : f32
    %jit3A_324 = arith.constant 3.100000e+01 : f32
    %max3A_325 = vector.broadcast %jit3A_323 : f32 to vector<1x16384xf32>
    %max3A_326 = arith.maximumf %max3A_325, %add3A_322 : vector<1x16384xf32>
    %min3A_327 = vector.broadcast %jit3A_324 : f32 to vector<1x16384xf32>
    %min3A_328 = arith.minimumf %min3A_327, %max3A_326 : vector<1x16384xf32>
    %mul3A_329 = arith.constant 8.800000e+01 : f32
    %mul3A_330 = vector.broadcast %mul3A_329 : f32 to vector<1x16384xf32>
    %mul3A_331 = arith.mulf %min3A_328, %mul3A_330 : vector<1x16384xf32>
    %add3A_332 = arith.addf %min3A_319, %mul3A_331 : vector<1x16384xf32>
    %add3A_333 = vector.broadcast %convert_element_type3A : f32 to vector<1x16384xf32>
    %add3A_334 = arith.addf %add3A_332, %add3A_333 : vector<1x16384xf32>
    %convert_element_type3A_335 = arith.fptosi %add3A_334 : vector<1x16384xf32> to vector<1x16384xi32>
    %reshape3A_336 = vector.shape_cast %convert_element_type3A_335 : vector<1x16384xi32> to vector<16x8x128xi32>
    %swap3A_337 = arith.constant 0 : index
    %swap3A_338 = arith.constant 0 : index
    %swap3A_339 = arith.constant 0 : index
    %swap3A_340 = arith.constant 7 : index
    %swap3A_341 = arith.constant 0 : index
    %swap3A_342 = arith.constant 0 : index
    %swap3A_343 = vector.load %arg5[%swap3A_337, %swap3A_338, %swap3A_339, %swap3A_340, %swap3A_341, %swap3A_342] : memref<1x16x1x9x8x128xi32, #tpu.memory_space<vmem>>, vector<1x16x1x1x8x128xi32>
    %swap3A_344 = vector.shape_cast %swap3A_343 : vector<1x16x1x1x8x128xi32> to vector<16x8x128xi32>
    %swap3A_345 = vector.shape_cast %reshape3A_336 : vector<16x8x128xi32> to vector<1x16x1x1x8x128xi32>
    tpu.vector_store %arg5[%swap3A_337, %swap3A_338, %swap3A_339, %swap3A_340, %swap3A_341, %swap3A_342], %swap3A_345 {strides = array<i32>} : memref<1x16x1x9x8x128xi32, #tpu.memory_space<vmem>>, vector<1x16x1x1x8x128xi32>,
    %add3A_346 = arith.constant 1.000000e+00 : f32
    %add3A_347 = vector.broadcast %add3A_346 : f32 to vector<1x16384xf32>
    %add3A_348 = arith.addf %round3A, %add3A_347 : vector<1x16384xf32>
    %jit3A_349 = arith.constant 0.000000e+00 : f32
    %jit3A_350 = arith.constant 8.700000e+01 : f32
    %max3A_351 = vector.broadcast %jit3A_349 : f32 to vector<1x16384xf32>
    %max3A_352 = arith.maximumf %max3A_351, %add3A_348 : vector<1x16384xf32>
    %min3A_353 = vector.broadcast %jit3A_350 : f32 to vector<1x16384xf32>
    %min3A_354 = arith.minimumf %min3A_353, %max3A_352 : vector<1x16384xf32>
    %add3A_355 = arith.constant 1.000000e+00 : f32
    %add3A_356 = vector.broadcast %add3A_355 : f32 to vector<1x16384xf32>
    %add3A_357 = arith.addf %round3A_66, %add3A_356 : vector<1x16384xf32>
    %jit3A_358 = arith.constant 0.000000e+00 : f32
    %jit3A_359 = arith.constant 3.100000e+01 : f32
    %max3A_360 = vector.broadcast %jit3A_358 : f32 to vector<1x16384xf32>
    %max3A_361 = arith.maximumf %max3A_360, %add3A_357 : vector<1x16384xf32>
    %min3A_362 = vector.broadcast %jit3A_359 : f32 to vector<1x16384xf32>
    %min3A_363 = arith.minimumf %min3A_362, %max3A_361 : vector<1x16384xf32>
    %mul3A_364 = arith.constant 8.800000e+01 : f32
    %mul3A_365 = vector.broadcast %mul3A_364 : f32 to vector<1x16384xf32>
    %mul3A_366 = arith.mulf %min3A_363, %mul3A_365 : vector<1x16384xf32>
    %add3A_367 = arith.addf %min3A_354, %mul3A_366 : vector<1x16384xf32>
    %add3A_368 = vector.broadcast %convert_element_type3A : f32 to vector<1x16384xf32>
    %add3A_369 = arith.addf %add3A_367, %add3A_368 : vector<1x16384xf32>
    %convert_element_type3A_370 = arith.fptosi %add3A_369 : vector<1x16384xf32> to vector<1x16384xi32>
    %reshape3A_371 = vector.shape_cast %convert_element_type3A_370 : vector<1x16384xi32> to vector<16x8x128xi32>
    %swap3A_372 = arith.constant 0 : index
    %swap3A_373 = arith.constant 0 : index
    %swap3A_374 = arith.constant 0 : index
    %swap3A_375 = arith.constant 8 : index
    %swap3A_376 = arith.constant 0 : index
    %swap3A_377 = arith.constant 0 : index
    %swap3A_378 = vector.load %arg5[%swap3A_372, %swap3A_373, %swap3A_374, %swap3A_375, %swap3A_376, %swap3A_377] : memref<1x16x1x9x8x128xi32, #tpu.memory_space<vmem>>, vector<1x16x1x1x8x128xi32>
    %swap3A_379 = vector.shape_cast %swap3A_378 : vector<1x16x1x1x8x128xi32> to vector<16x8x128xi32>
    %swap3A_380 = vector.shape_cast %reshape3A_371 : vector<16x8x128xi32> to vector<1x16x1x1x8x128xi32>
    tpu.vector_store %arg5[%swap3A_372, %swap3A_373, %swap3A_374, %swap3A_375, %swap3A_376, %swap3A_377], %swap3A_380 {strides = array<i32>} : memref<1x16x1x9x8x128xi32, #tpu.memory_space<vmem>>, vector<1x16x1x1x8x128xi32>,
    return
  }
  func.func @transform_0(%arg0: i32) -> (i32, i32, i32) {
    %c0_i32 = arith.constant 0 : i32
    %c0_i32_0 = arith.constant 0 : i32
    %c0_i32_1 = arith.constant 0 : i32
    return %arg0, %c0_i32, %c0_i32_0 : i32, i32, i32
  }
  func.func @transform_1(%arg0: i32) -> (i32, i32, i32) {
    %c0_i32 = arith.constant 0 : i32
    %c0_i32_0 = arith.constant 0 : i32
    %c0_i32_1 = arith.constant 0 : i32
    return %arg0, %c0_i32, %c0_i32_0 : i32, i32, i32
  }
  func.func @transform_2(%arg0: i32) -> (i32, i32) {
    %c0_i32 = arith.constant 0 : i32
    %c0_i32_0 = arith.constant 0 : i32
    %c0_i32_1 = arith.constant 0 : i32
    return %c0_i32, %c0_i32_0 : i32, i32
  }
  func.func @transform_3(%arg0: i32) -> (i32, i32, i32) {
    %c0_i32 = arith.constant 0 : i32
    %c0_i32_0 = arith.constant 0 : i32
    %c0_i32_1 = arith.constant 0 : i32
    return %arg0, %c0_i32, %c0_i32_0 : i32, i32, i32
  }
  func.func @transform_4(%arg0: i32) -> (i32, i32, i32, i32, i32, i32) {
    %jit3A = arith.constant 3 : i32
    %div3A = arith.divsi %arg0, %jit3A : i32
    %sign3A = arith.constant 0 : i32
    %sign3A_0 = arith.cmpi sgt, %arg0, %sign3A : i32
    %sign3A_1 = arith.extui %sign3A_0 : i1 to i32
    %sign3A_2 = arith.constant 0 : i32
    %sign3A_3 = arith.cmpi slt, %arg0, %sign3A_2 : i32
    %sign3A_4 = arith.extui %sign3A_3 : i1 to i32
    %sign3A_5 = arith.subi %sign3A_1, %sign3A_4 : i32
    %sign3A_6 = arith.constant 0 : i32
    %sign3A_7 = arith.cmpi sgt, %jit3A, %sign3A_6 : i32
    %sign3A_8 = arith.extui %sign3A_7 : i1 to i32
    %sign3A_9 = arith.constant 0 : i32
    %sign3A_10 = arith.cmpi slt, %jit3A, %sign3A_9 : i32
    %sign3A_11 = arith.extui %sign3A_10 : i1 to i32
    %sign3A_12 = arith.subi %sign3A_8, %sign3A_11 : i32
    %ne3A = arith.cmpi ne, %sign3A_5, %sign3A_12 : i32
    %rem3A = arith.remsi %arg0, %jit3A : i32
    %ne3A_13 = arith.constant 0 : i32
    %ne3A_14 = arith.cmpi ne, %rem3A, %ne3A_13 : i32
    %and3A = arith.andi %ne3A, %ne3A_14 : i1
    %sub3A = arith.constant 1 : i32
    %sub3A_15 = arith.subi %div3A, %sub3A : i32
    %select_n3A = arith.select %and3A, %sub3A_15, %div3A : i32
    %jit3A_16 = arith.constant 3 : i32
    %eq3A = arith.constant 0 : i32
    %eq3A_17 = arith.cmpi eq, %jit3A_16, %eq3A : i32
    %jit3A_18 = arith.constant 1 : i32
    %select_n3A_19 = arith.select %eq3A_17, %jit3A_18, %jit3A_16 : i32
    %rem3A_20 = arith.remsi %arg0, %select_n3A_19 : i32
    %ne3A_21 = arith.constant 0 : i32
    %ne3A_22 = arith.cmpi ne, %rem3A_20, %ne3A_21 : i32
    %lt3A = arith.constant 0 : i32
    %lt3A_23 = arith.cmpi slt, %rem3A_20, %lt3A : i32
    %lt3A_24 = arith.constant 0 : i32
    %lt3A_25 = arith.cmpi slt, %select_n3A_19, %lt3A_24 : i32
    %ne3A_26 = arith.xori %lt3A_23, %lt3A_25 : i1
    %and3A_27 = arith.andi %ne3A_26, %ne3A_22 : i1
    %add3A = arith.addi %rem3A_20, %select_n3A_19 : i32
    %select_n3A_28 = arith.select %and3A_27, %add3A, %rem3A_20 : i32
    %c0_i32 = arith.constant 0 : i32
    %c0_i32_29 = arith.constant 0 : i32
    %c0_i32_30 = arith.constant 0 : i32
    %c0_i32_31 = arith.constant 0 : i32
    %c0_i32_32 = arith.constant 0 : i32
    return %select_n3A, %c0_i32, %select_n3A_28, %c0_i32_29, %c0_i32_30, %c0_i32_31 : i32, i32, i32, i32, i32, i32
  }
  func.func @transform_5(%arg0: i32) -> (i32, i32, i32) {
    %c0_i32 = arith.constant 0 : i32
    %c0_i32_0 = arith.constant 0 : i32
    %c0_i32_1 = arith.constant 0 : i32
    return %arg0, %c0_i32, %c0_i32_0 : i32, i32, i32
  }
  func.func @transform_6(%arg0: i32) -> (i32, i32, i32) {
    %c0_i32 = arith.constant 0 : i32
    %c0_i32_0 = arith.constant 0 : i32
    %c0_i32_1 = arith.constant 0 : i32
    return %arg0, %c0_i32, %c0_i32_0 : i32, i32, i32
  }
}

</mosaic_0001>

<sc_bundles>
// kernel: kernel.4.cloned.1.call-start
scs
__scs_entry_jumppad:
0x0: {  	(pc) =	sbr.rel $0x88, $3  }
0x1: {  	(tag) =	ssettag $0x0;
	lr =	simm.s32 $0x1  }
0x2: {  	[smem:$0x3F9D] =	sst lr;
	_ =	strace $0xD0000000  }
0x3: {  	_ = 	snop  }
0x4: {  	_ = 	snop  }
0x5: {  	_ = 	snop  }
0x6: {  	_ = 	snop  }
0x7: {  	_ = 	snop  }
__scs_overlays_trampoline_lowered:
0x8: {  	[smem:$0x3FAC] =	sst s0  }
0x9: {  	[smem:$0x3FAD] =	sst s1  }
0xa: {  	[smem:$0x3FAE] =	sst s2  }
0xb: {  	[smem:$0x3FAF] =	sst s3  }
0xc: {  	[smem:$0x3FB0] =	sst s4  }
0xd: {  	[smem:$0x3FB1] =	sst s5  }
0xe: {  	[smem:$0x3FB2] =	sst s6  }
0xf: {  	[smem:$0x3FB3] =	sst s7  }
0x10: {  	[smem:$0x3FB4] =	sst s8  }
0x11: {  	[smem:$0x3FB5] =	sst s9;
	s0 =	simm.s32 @!p0 $0x0  }
0x12: {  	s1 =	sld [smem:$0x3F9B];
	s0 =	simm.s32 @p0 $0x1  }
0x13: {  	[smem:$0x3FB6] =	sst s0;
	s0 =	simm.s32 @!p1 $0x0  }
0x14: {  	s2 =	sld [smem:$0x3F9A];
	s0 =	simm.s32 @p1 $0x1  }
0x15: {  	[smem:$0x3FB7] =	sst s0;
	s0 =	simm.s32 @!p2 $0x0  }
0x16: {  	s3 =	sld [smem:$0x3FDB];
	s0 =	simm.s32 @p2 $0x1  }
0x17: {  	s4 =	simm.s32 $0x1BF5;
	[smem:$0x3FB9] =	sst s0  }
0x18: {  	s0 =	sld [smem:$0x3F9C];
	_ =	swait.ge [sflag:s4], $0x0  }
0x19: {  	s7 =	sld [smem:$0x3F9D]  }
0x1a: {  	s8 =	sadd.s32 $0xFFFFE003, lr  }
0x1b: {  	s9 =	sadd.s32 $0xFFFFFEF7, lr;
	s5 =	simm.s32 $0xFFFFFFFF;
	p2 =	slt.u32 s8, $0xFFFFF086  }
0x1c: {  	p1 =	slt.u32 s9, $0xF7A;
	s5 =	simm.s32 @!p2 $0x0  }
0x1d: {  	s5 =	simm.s32 @p1 $0x1;
	p0 =	seq.s32 s7, s2  }
0x1e: {  	s7 =	smul.u32 @!p0 $0xF7A, s2;
	p2 =	seq.s32 @!p0 s5, $0x0  }
0x1f: {  	s9 =	smul.u32 $0xF7A, s1;
	s8 =	simm.s32 @!p0 $0x1BF5;
	p2 =	por !p2, p0  }
0x20: {  	[sflag:s8] =	ssyncset.s32 @!p0 $0xFFFFF086;
	s6 =	sadd.s32 @!p0 s3, s7;
	s7 =	simm.s32 @!p0 $0x108  }
0x21: {  	s3 =	sadd.s32 s3, s9;
	s6 =	sadd.s32 @!p0 $0x88, s6;
	s7 =	simm.s32 @p2 $0x1082  }
0x22: {  	[simem:s7], [sflag:s8] =	dma.local @!p0 [hbm:s6], $0xF7A  }
0x23: {  	s9 =	sor.u32 $0xD0000000, s2;
	s6 =	simm.s32 $0x108;
	_ =	swait.ge @!p0 [sflag:s8], $0x0  }
0x24: {  	s3 =	sadd.s32 $0x88, s3;
	s6 =	simm.s32 @!p1 $0x1082;
	[sflag:s4] =	ssyncset.s32 $0xFFFFF086  }
0x25: {  	[simem:s6], [sflag:s4] =	dma.local [hbm:s3], $0xF7A  }
0x26: {  	[smem:$0x3F9D] =	sst s1;
	(tag) =	ssettag s2;
	_ =	strace s9  }
0x27: {  	s1 =	sld [smem:$0x3FAD]  }
0x28: {  	s2 =	sld [smem:$0x3FAE]  }
0x29: {  	s4 =	sld [smem:$0x3FB0]  }
0x2a: {  	p0 =	seq.s32 s5, $0x0;
	s5 =	sld [smem:$0x3FB1]  }
0x2b: {  	s6 =	sld [smem:$0x3FB2]  }
0x2c: {  	s7 =	sld [smem:$0x3FB3]  }
0x2d: {  	s3 =	simm.s32 $0x108;
	s8 =	sld [smem:$0x3FB4]  }
0x2e: {  	s3 =	simm.s32 @!p0 $0x1082;
	s9 =	sld [smem:$0x3FB5]  }
0x2f: {  	lr =	sadd.s32 s0, s3;
	s0 =	sld [smem:$0x3FAC]  }
0x30: {  	s3 =	sld [smem:$0x3FAF]  }
0x31: {  	[smem:$0x3FB8] =	sst s10  }
0x32: {  	s10 =	sld [smem:$0x3FB6];
	_ =	sdelay $0x3  }
0x33: {  	p0 =	seq.s32 s10, $0x1;
	s10 =	sld [smem:$0x3FB8];
	_ =	sdelay $0x3  }
0x34: {  	[smem:$0x3FB8] =	sst s10  }
0x35: {  	s10 =	sld [smem:$0x3FB7];
	_ =	sdelay $0x3  }
0x36: {  	p1 =	seq.s32 s10, $0x1;
	s10 =	sld [smem:$0x3FB8];
	_ =	sdelay $0x3  }
0x37: {  	[smem:$0x3FB8] =	sst s10  }
0x38: {  	s10 =	sld [smem:$0x3FB9]  }
0x39: {  	_ = 	snop;
	(pc) =	sbr.ind lr, $3  }
0x3a: {  	_ = 	snop  }
0x3b: {  	_ = 	snop  }
0x3c: {  	p2 =	seq.s32 s10, $0x1;
	s10 =	sld [smem:$0x3FB8]  }
0x3d: {  	_ =	shalt  }
0x3e: {  	_ =	shalt  }
0x3f: {  	_ =	shalt  }
0x40: {  	_ =	shalt  }
0x41: {  	_ =	shalt  }
0x42: {  	_ =	shalt  }
0x43: {  	_ =	shalt  }
0x44: {  	_ =	shalt  }
0x45: {  	_ =	shalt  }
0x46: {  	_ =	shalt  }
0x47: {  	_ =	shalt  }
0x48: {  	_ =	shalt  }
0x49: {  	_ =	shalt  }
0x4a: {  	_ =	shalt  }
0x4b: {  	_ =	shalt  }
0x4c: {  	_ =	shalt  }
0x4d: {  	_ =	shalt  }
0x4e: {  	_ =	shalt  }
0x4f: {  	_ =	shalt  }
0x50: {  	_ =	shalt  }
0x51: {  	_ =	shalt  }
0x52: {  	_ =	shalt  }
0x53: {  	_ =	shalt  }
0x54: {  	_ =	shalt  }
0x55: {  	_ =	shalt  }
0x56: {  	_ =	shalt  }
0x57: {  	_ =	shalt  }
0x58: {  	_ =	shalt  }
0x59: {  	_ =	shalt  }
0x5a: {  	_ =	shalt  }
0x5b: {  	_ =	shalt  }
0x5c: {  	_ =	shalt  }
0x5d: {  	_ =	shalt  }
0x5e: {  	_ =	shalt  }
0x5f: {  	_ =	shalt  }
0x60: {  	_ =	shalt  }
0x61: {  	_ =	shalt  }
0x62: {  	_ =	shalt  }
0x63: {  	_ =	shalt  }
0x64: {  	_ =	shalt  }
0x65: {  	_ =	shalt  }
0x66: {  	_ =	shalt  }
0x67: {  	_ =	shalt  }
0x68: {  	_ =	shalt  }
0x69: {  	_ =	shalt  }
0x6a: {  	_ =	shalt  }
0x6b: {  	_ =	shalt  }
0x6c: {  	_ =	shalt  }
0x6d: {  	_ =	shalt  }
0x6e: {  	_ =	shalt  }
0x6f: {  	_ =	shalt  }
0x70: {  	_ =	shalt  }
0x71: {  	_ =	shalt  }
0x72: {  	_ =	shalt  }
0x73: {  	_ =	shalt  }
0x74: {  	_ =	shalt  }
0x75: {  	_ =	shalt  }
0x76: {  	_ =	shalt  }
0x77: {  	_ =	shalt  }
0x78: {  	_ =	shalt  }
0x79: {  	_ =	shalt  }
0x7a: {  	_ =	shalt  }
0x7b: {  	_ =	shalt  }
0x7c: {  	_ =	shalt  }
0x7d: {  	_ =	shalt  }
0x7e: {  	_ =	shalt  }
0x7f: {  	_ =	shalt  }
0x80: {  	_ =	shalt  }
0x81: {  	_ =	shalt  }
0x82: {  	_ =	shalt  }
0x83: {  	_ =	shalt  }
0x84: {  	_ =	shalt  }
0x85: {  	_ =	shalt  }
0x86: {  	_ =	shalt  }
0x87: {  	_ =	shalt  }
.Lfunc_end0:
.L_simem_size_0:
called_computation.1_lowered:
.L_overlay_start_0:
0x88: {  	s2 =	sld [smem:$0x3FD9]  }
0x89: {  	s3 =	sld [smem:$0x3FFE];
	_ =	sdelay $0x1  }
0x8a: {  	s1 =	srdreg.scid  }
0x8b: {  	s0 =	sand.u32 $0x1, s1  }
0x8c: {  	s14 =	sshll.u32 s0, $0xA;
	s2 =	sadd.s32 s3, s2  }
0x8d: {  	s2 =	sadd.s32 s2, s14  }
0x8e: {  	[smem:$0x3FC4] =	sst s2  }
0x8f: {  	_ = 	snop  }
0x90: {  	s2 =	sld [smem:$0x3FD0];
	_ =	sdelay $0x2  }
0x91: {  	s15 =	simm.s32 $0xA;
	s4 =	simm.s32 $0x10  }
0x92: {  	[smem:s4], [sflag:s15] =	dma.local [hbm:s2], $0x1  }
0x93: {  	_ =	swait.eq [sflag:s15], $0x1  }
0x94: {  	[sflag:s15] =	ssyncset.done $0x0  }
0x95: {  	[sflag:s15] =	ssyncadd.s32 $0xFFFFFFFF  }
0x96: {  	s16 =	sld [smem:$0x10];
	(tm) =	ssettm $0x1  }
0x97: {  	s17 =	sld [smem:$0x3FFB];
	_ =	sdelay $0x3  }
0x98: {  	_ =	strace s17  }
0x99: {  	s3 =	sld [smem:$0x3FFC];
	_ =	sdelay $0x3  }
0x9a: {  	_ =	strace s3  }
0x9b: {  	s3 =	sld [smem:$0x3FFD];
	_ =	sdelay $0x3  }
0x9c: {  	_ =	strace s3  }
0x9d: {  	_ =	strace $0x8FFFFFFF  }
0x9e: {  	s18 =	sld [smem:$0x3FDB];
	_ =	sdelay $0x1  }
0x9f: {  	s19 =	simm.s32 $_scs_section_size  }
0xa0: {  	s5 =	simm.s32 $_size__tile_overlayer_lowered;
	s6 =	simm.s32 $_tile_overlayer_lowered  }
0xa1: {  	s22 =	simm.s32 $0x1BFF;
	s21 =	sshll.u32 s6, $0x1;
	s3 =	sadd.s32 s19, s18  }
0xa2: {  	s7 =	simm.s32 $0x0;
	s20 =	sshll.u32 s5, $0x1;
	s5 =	sadd.s32 s21, s3  }
0xa3: {  	[timem:s7], [sflag:s22] =	dma.local [hbm:s5], s20  }
0xa4: {  	_ =	swait.ge [sflag:s22], s20  }
0xa5: {  	s4 =	ssub.s32 $0x0, s20;
	[sflag:s22] =	ssyncset.done $0x0  }
0xa6: {  	[sflag:s22] =	ssyncadd.s32 s4;
	_ =	sdelay $0x1  }
0xa7: {  	s23 =	simm.s32 $0x1B8B  }
0xa8: {  	_ =	swait.ge [sflag:s23], $0x1  }
0xa9: {  	[sflag:s23] =	ssyncset.done $0x0  }
0xaa: {  	s25 =	simm.s32 $0x1B8E;
	s24 =	sld [smem:$0x3FFE];
	[sflag:s23] =	ssyncadd.s32 $0xFFFFFFFF  }
0xab: {  	s26 =	simm.s32 $execute0_lowered;
	[smem:$0x3FD2] =	sst s25  }
0xac: {  	s5 =	sshll.u32 s26, $0x1;
	_ =	strace $0x80000046;
	[dreg:$0x1] =	wrdreg $0xFFFFFFFF  }
0xad: {  	s28 =	simm.s32 $_size_execute0_lowered;
	s3 =	sadd.s32 s3, s5;
	[dreg:$0x0] =	wrdreg $0x0  }
0xae: {  	s5 =	sshll.u32 s28, $0x1;
	[dreg:$0x2] =	wrdreg s3  }
0xaf: {  	[dreg:$0x3] =	wrdreg s5  }
0xb0: {  	[dreg:$0x4] =	wrdreg $0xC0  }
0xb1: {  	_ =	task [dreg:s7], $0x5FFFF  }
0xb2: {  	[dreg:$0x1] =	wrdreg $0xFFFFFFFF  }
0xb3: {  	[dreg:$0x0] =	wrdreg $0x60  }
0xb4: {  	[dreg:$0x2] =	wrdreg s24  }
0xb5: {  	[dreg:$0x3] =	wrdreg s16  }
0xb6: {  	[dreg:$0x4] =	wrdreg $0x0  }
0xb7: {  	[dreg:$0x5] =	wrdreg $0x9  }
0xb8: {  	_ =	task.clear_ibuf [dreg:s7], $0x6FFFF;
	_ =	strace $0x90000046  }
0xb9: {  	s29 =	simm.s32 $0x9;
	_ =	strace $0x80000048  }
0xba: {  	_ =	swait.ge [sflag:s29], $0x1  }
0xbb: {  	[sflag:s29] =	ssyncadd.s32 $0xFFFFFFFF  }
0xbc: {  	_ =	strace $0x90000048  }
0xbd: {  	_ =	sfence  }
0xbe: {  	s30 =	sld [smem:$0x0];
	_ =	sdelay $0x2  }
0xbf: {  	s31 =	sshll.u32 s1, $0xD;
	s1 =	sshrl.u32 s1, $0x2  }
0xc0: {  	s3 =	sand.u32 $0x4000, s31;
	s1 =	sadd.s32 s1, s30  }
0xc1: {  	s0 =	sor.u32 s3, s0;
	s1 =	sshll.u32 s1, $0x11  }
0xc2: {  	s0 =	sor.u32 s1, s0  }
0xc3: {  	s0 =	sadd.s32 $0x8F2B, s0  }
0xc4: {  	[sflag:s0] =	ssyncadd.remote.s32 $0x1  }
0xc5: {  	_ =	sfence.sel $0xFFFF  }
0xc6: {  	[dreg:$0x0] =	wrdreg $0xFFFFFFFF;
	(pc) =	sbr.abs _section_cstart, $3  }
0xc7: {  	[dreg:$0x1] =	wrdreg $0xFFFFFFFF  }
0xc8: {  	_ =	task.clear_ibuf [dreg:s7], $0x2FFFF;
	_ =	strace $0x9FFFFFFF  }
0xc9: {  	(tm) =	ssettm $0x7FFFFFFF  }
tec
execute0_lowered:
.L_overlay_start_1:
0x0: {  	(tag) =	ssettag $0x1  }
0x1: {  	s0 =	rddreg [dreg:$0x0];
	s10 =	stileid.u32  }
0x2: {  	s1 =	srdreg.scid;
	s5 =	smul.u32 $0x1080, s10  }
0x3: {  	s2 =	rddreg [dreg:$0x1];
	s20 =	smul.u32 $0x6C00, s10  }
0x4: {  	s3 =	rddreg [dreg:$0x2];
	s7 =	simm.s32 $0x0;
	s21 =	smul.u32 $0x21000, s10  }
0x5: {  	s17 =	simm.s32 $0x80;
	s1 =	sand.u32 $0x1, s1;
	s9 =	smul.u32 $0x90000, s10  }
0x6: {  	s31 =	simm.s32 $0x40;
	s19 =	simm.s32 $0x3;
	s4 =	smul.u32 $0x10800, s1  }
0x7: {  	[smem:$0x7FF] =	sst s7;
	s24 =	sshll.u32 s10, $0x6;
	s6 =	smul.u32 $0x6C000, s1  }
0x8: {  	_ =	strace $0x80000047;
	s22 =	smul.u32 $0x1B00000, s1;
	s8 =	ssub.s32 $0x2, s1  }
0x9: {  	s23 =	sshrl.u32 s8, $0x1;
	s4 =	sadd.s32 s5, s4;
	s6 =	sadd.s32 s20, s6  }
0xa: {  	s5 =	sshrl.u32 s21, $0x2;
	s7 =	sadd.s32 s9, s22;
	s9 =	smul.u32 $0x3, s1  }
0xb: {  	s1 =	simm.s32 $0x240;
	s21 =	simm.s32 $0x4;
	s4 =	sadd.s32 s4, s0  }
0xc: {  	s6 =	sshrl.u32 s6, $0x3;
	s5 =	sadd.s32 s5, s3;
	s4 =	sadd.s32 $0x1F200, s4  }
0xd: {  	s7 =	sshrl.u32 s7, $0x3;
	s30 =	sshrl.u32 s5, $0x3;
	[dreg:$0x4] =	wrdreg s4  }
0xe: {  	s0 =	sadd.s32 s6, s0;
	s4 =	sor.u32 $0x1C07, s24;
	[dreg:$0xb] =	wrdreg s30  }
0xf: {  	s25 =	sadd.s32 s7, s2;
	s0 =	sadd.s32 $0x1200, s0;
	[dreg:$0x5] =	wrdreg s4  }
0x10: {  	s6 =	ssub.s32 s8, s23;
	s26 =	sadd.s32 $0x244840, s25;
	[dreg:$0x6] =	wrdreg s0  }
0x11: {  	s8 =	sshll.u32 s10, $0xA;
	s28 =	sadd.s32 $0x249040, s25;
	[dreg:$0x7] =	wrdreg s26  }
0x12: {  	s23 =	simm.s32 $0x5;
	s29 =	smax.u32 s6, $0x1;
	[dreg:$0x8] =	wrdreg s28  }
0x13: {  	s2 =	simm.s32 $0x0;
	s0 =	sadd.s32 $0x24D840, s25;
	[dreg:$0xa] =	wrdreg s29  }
0x14: {  	s25 =	simm.s32 $0x6;
	[dreg:$0x9] =	wrdreg s0;
	s0 =	simm.s32 $0x2  }
.LBB2_1:
0x15: {  	[dreg:$0xc] =	wrdreg s2  }
0x16: {  	s4 =	rddreg [dreg:$0x4]  }
0x17: {  	s5 =	rddreg [dreg:$0x5]  }
0x18: {  	s6 =	rddreg [dreg:$0xb];
	s11 =	simm.s32 $0x7  }
0x19: {  	[spmem:s6], [sflag:s5] =	dma.local [hbm:s4], $0x1080  }
0x1a: {  	_ =	swait.ge [sflag:s11], $0x1080  }
0x1b: {  	s12 =	simm.s32 $0x0;
	s7 =	simm.s32 $0x8400;
	[sflag:s11] =	ssyncset.done $0x0  }
0x1c: {  	s22 =	simm.s32 $0xF000;
	s13 =	rddreg [dreg:$0x6];
	[sflag:s11] =	ssyncadd.s32 $0xFFFFEF80  }
0x1d: {  	[tilespmem:s7], [sflag:$0x7] =	stream.linear.gather [hbm4b:s13+s12], $0x6C00, $0x38;
	[tilespmem:$0x1B000] =	vst v63  }
0x1e: {  	s14 =	simm.s32 $0x8480;
	s24 =	simm.s32 $0x11000;
	_ =	swait.ge [sflag:s11], $0x6C00  }
0x1f: {  	s15 =	simm.s32 $0x8500;
	s18 =	smul.u32 $0x3, s12;
	[sflag:s11] =	ssyncset.done $0x0  }
0x20: {  	s26 =	simm.s32 $0x13000;
	s16 =	simm.s32 $0x8580;
	[sflag:s11] =	ssyncadd.s32 $0xFFFF9400  }
0x21: {  	s30 =	simm.s32 $0x15000;
	s2 =	sand.u32 $0xFF, s18;
	[bflag:$0x0] =	sbarrier.arrive $0xFFFF  }
0x22: {  	[tilespmem:s22], [sflag:$0x1] =	stream.indirect.gather [spmem:s3], $0x40, s7, s17, $0xb8;
	[tilespmem:$0x1B000] =	vst v63  }
0x23: {  	s20 =	simm.s32 $0x8600;
	s6 =	sand.u32 $0xFF, s12;
	s5 =	smul.u32 $0x39, s2  }
0x24: {  	[tilespmem:s24], [sflag:$0x1] =	stream.indirect.gather [spmem:s3], $0x40, s14, s17, $0xb8;
	[tilespmem:$0x1B000] =	vst v63  }
0x25: {  	s28 =	simm.s32 $0x17000;
	s6 =	smul.u32 $0xAB, s6;
	s5 =	sshrl.u32 s5, $0xB  }
0x26: {  	[tilespmem:s26], [sflag:$0x2] =	stream.indirect.gather [spmem:s3], $0x40, s15, s17, $0xb8;
	[tilespmem:$0x1B000] =	vst v63  }
0x27: {  	s10 =	simm.s32 $0x19000;
	s6 =	sshrl.u32 s6, $0xB;
	s5 =	smul.u32 $0x24, s5  }
0x28: {  	[tilespmem:s30], [sflag:$0x2] =	stream.indirect.gather [spmem:s3], $0x40, s16, s17, $0xb8;
	[tilespmem:$0x1B000] =	vst v63  }
0x29: {  	s6 =	sadd.s32 s6, s9;
	s5 =	ssub.s32 s18, s5;
	s7 =	simm.s32 $0x8680  }
0x2a: {  	[tilespmem:s28], [sflag:$0x3] =	stream.indirect.gather [spmem:s3], $0x40, s20, s17, $0xb8;
	[tilespmem:$0x1B000] =	vst v63  }
0x2b: {  	s11 =	sshll.u32 s5, $0x8;
	s14 =	sshll.u32 s5, $0x4;
	s16 =	simm.s32 $0x1  }
0x2c: {  	[tilespmem:s10], [sflag:$0x3] =	stream.indirect.gather [spmem:s3], $0x40, s7, s17, $0xb8;
	[tilespmem:$0x1B000] =	vst v63  }
0x2d: {  	s4 =	sand.u32 $0x3C0, s14;
	s14 =	smul.u32 $0x3, s16;
	s10 =	sadd.s32 $0x1, s18  }
0x2e: {  	s7 =	sand.u32 $0x300, s11;
	s11 =	smul.u32 $0x900000, s6;
	s13 =	sand.u32 $0xFF, s10  }
0x2f: {  	s12 =	sor.u32 s8, s7;
	s7 =	smul.u32 $0x39, s13;
	s13 =	sadd.s32 $0x2, s18  }
0x30: {  	s12 =	smul.u32 $0x240, s12;
	s20 =	sand.u32 $0xFF, s13  }
0x31: {  	s2 =	sand.u32 $0xFF, s14;
	s7 =	sshrl.u32 s7, $0xB;
	s20 =	smul.u32 $0x39, s20  }
0x32: {  	s15 =	sadd.s32 s11, s12;
	s11 =	sand.u32 $0xFF, s16;
	s18 =	smul.u32 $0x24, s7  }
0x33: {  	s4 =	sor.u32 s4, s15;
	s7 =	sadd.s32 s7, s9;
	s11 =	smul.u32 $0xAB, s11  }
0x34: {  	s15 =	sshrl.u32 s4, $0x3;
	s12 =	smul.u32 $0x900000, s7;
	s7 =	sadd.s32 $0x2, s14  }
0x35: {  	s4 =	sadd.s32 $0x1, s14;
	s20 =	sshrl.u32 s20, $0xB;
	s10 =	ssub.s32 s10, s18  }
0x36: {  	s18 =	smul.u32 $0x39, s2;
	s2 =	simm.s32 $0x1;
	s11 =	sshrl.u32 s11, $0xB  }
0x37: {  	s16 =	sshll.u32 s10, $0x8;
	s10 =	sshll.u32 s10, $0x4;
	_ =	swait.ge [sflag:s2], $0x4000  }
0x38: {  	s11 =	sadd.s32 s11, s9;
	s18 =	sshrl.u32 s18, $0xB;
	[sflag:s2] =	ssyncset.done $0x0  }
0x39: {  	s16 =	sand.u32 $0x300, s16;
	s18 =	smul.u32 $0x24, s18;
	[sflag:s2] =	ssyncadd.s32 $0xFFFFC000  }
0x3a: {  	s10 =	sand.u32 $0x3C0, s10;
	s16 =	sor.u32 s8, s16;
	s2 =	rddreg [dreg:$0x1]  }
0x3b: {  	s16 =	smul.u32 $0x240, s16;
	s15 =	sadd.s32 s2, s15;
	s14 =	ssub.s32 s14, s18  }
0x3c: {  	[hbm4b:s15+s31] =	stream.strided.scatter [tilespmem:s22], [sflag:$0x4], $0x4000, s1, s31, $0x38;
	[tilespmem:$0x1B000] =	vst v63  }
0x3d: {  	s12 =	sadd.s32 s12, s16;
	s16 =	smul.u32 $0x24, s20;
	s18 =	sshll.u32 s14, $0x8  }
0x3e: {  	s11 =	smul.u32 $0x900000, s11;
	s15 =	sand.u32 $0x300, s18;
	s10 =	sor.u32 s10, s12  }
0x3f: {  	_ =	swait.ge [sflag:s0], $0x4000;
	s18 =	sadd.s32 s20, s9;
	s13 =	ssub.s32 s13, s16  }
0x40: {  	s12 =	sor.u32 s8, s15;
	s10 =	sshrl.u32 s10, $0x3;
	[sflag:s0] =	ssyncset.done $0x0  }
0x41: {  	s15 =	smul.u32 $0x900000, s18;
	s16 =	sshll.u32 s13, $0x4;
	s13 =	sshll.u32 s13, $0x8  }
0x42: {  	s10 =	sadd.s32 s2, s10;
	[sflag:s0] =	ssyncadd.s32 $0xFFFFC000;
	s13 =	sand.u32 $0x300, s13  }
0x43: {  	[hbm4b:s10+s31] =	stream.strided.scatter [tilespmem:s26], [sflag:$0x5], $0x4000, s1, s31, $0x38;
	[tilespmem:$0x1B000] =	vst v63  }
0x44: {  	s20 =	smul.u32 $0x240, s12;
	s13 =	sor.u32 s8, s13  }
0x45: {  	s5 =	simm.s32 $0x1800;
	s13 =	smul.u32 $0x240, s13  }
0x46: {  	s6 =	simm.s32 $0xC00;
	s14 =	sshll.u32 s14, $0x4;
	s16 =	sand.u32 $0x3C0, s16  }
0x47: {  	_ =	swait.ge [sflag:s19], $0x4000;
	s10 =	sadd.s32 s11, s20;
	s15 =	sadd.s32 s15, s13  }
0x48: {  	s20 =	sand.u32 $0x3C0, s14;
	[sflag:s19] =	ssyncset.done $0x0;
	s12 =	sor.u32 s16, s15  }
0x49: {  	s14 =	simm.s32 $0x8700;
	[sflag:s19] =	ssyncadd.s32 $0xFFFFC000;
	s18 =	sshrl.u32 s12, $0x3  }
0x4a: {  	s15 =	simm.s32 $0x8780;
	s16 =	simm.s32 $0x8800;
	s11 =	sadd.s32 s2, s18  }
0x4b: {  	[hbm4b:s11+s31] =	stream.strided.scatter [tilespmem:s28], [sflag:$0x6], $0x4000, s1, s31, $0x38;
	[tilespmem:$0x1B000] =	vst v63  }
0x4c: {  	s12 =	sor.u32 s20, s10;
	s10 =	simm.s32 $0x2400;
	_ =	swait.ge [sflag:s21], $0x4000  }
0x4d: {  	s20 =	simm.s32 $0x8980;
	s2 =	sand.u32 $0xFF, s4;
	[sflag:s21] =	ssyncset.done $0x0  }
0x4e: {  	s13 =	sshrl.u32 s12, $0x3;
	s11 =	smul.u32 $0x39, s2;
	[sflag:s21] =	ssyncadd.s32 $0xFFFFC000  }
0x4f: {  	[tilespmem:s22], [sflag:$0x1] =	stream.indirect.gather [spmem:s3], $0x40, s14, s17, $0xb8;
	[tilespmem:$0x1B000] =	vst v63  }
0x50: {  	s28 =	simm.s32 $0x8900;
	s18 =	sshrl.u32 s11, $0xB;
	s11 =	simm.s32 $0x2  }
0x51: {  	[tilespmem:s24], [sflag:$0x1] =	stream.indirect.gather [spmem:s3], $0x40, s15, s17, $0xb8;
	[tilespmem:$0x1B000] =	vst v63  }
0x52: {  	s12 =	smul.u32 $0x3, s11;
	s14 =	sand.u32 $0xFF, s11;
	_ =	swait.ge [sflag:s23], $0x4000  }
0x53: {  	s22 =	smul.u32 $0x24, s18;
	s15 =	sadd.s32 s18, s9;
	[sflag:s23] =	ssyncset.done $0x0  }
0x54: {  	s24 =	sand.u32 $0xFF, s7;
	s29 =	smul.u32 $0x900000, s15;
	[sflag:s23] =	ssyncadd.s32 $0xFFFFC000  }
0x55: {  	[tilespmem:s26], [sflag:$0x2] =	stream.indirect.gather [spmem:s3], $0x40, s16, s17, $0xb8;
	[tilespmem:$0x1B000] =	vst v63  }
0x56: {  	s16 =	ssub.s32 s4, s22;
	s26 =	simm.s32 $0x8880;
	s4 =	sand.u32 $0xFF, s12  }
0x57: {  	[tilespmem:s30], [sflag:$0x2] =	stream.indirect.gather [spmem:s3], $0x40, s26, s17, $0xb8;
	[tilespmem:$0x1B000] =	vst v63  }
0x58: {  	s15 =	sshll.u32 s16, $0x4;
	s30 =	sshll.u32 s16, $0x8;
	_ =	swait.ge [sflag:s25], $0x4000  }
0x59: {  	s16 =	sadd.s32 $0x2, s12;
	s18 =	sand.u32 $0x300, s30;
	[sflag:s25] =	ssyncset.done $0x0  }
.LBB2_2:
0x5a: {  	s4 =	smul.u32 $0x39, s4;
	s22 =	sand.u32 $0x3C0, s15  }
0x5b: {  	[sflag:s25] =	ssyncadd.s32 $0xFFFFC000;
	s15 =	smov.u32 s5;
	s5 =	smov.u32 s10  }
0x5c: {  	s30 =	simm.s32 $0x17000;
	s18 =	sor.u32 s8, s18;
	s24 =	smul.u32 $0x39, s24  }
0x5d: {  	s2 =	simm.s32 $0x19000;
	s26 =	simm.s32 $0x1;
	s14 =	smul.u32 $0xAB, s14  }
0x5e: {  	p0 =	sne.s32 s10, $0x19800;
	s10 =	sadd.s32 $0xC00, s10;
	s11 =	sadd.s32 $0x1, s11  }
0x5f: {  	[tilespmem:s30], [sflag:$0x3] =	stream.indirect.gather [spmem:s3], $0x40, s28, s17, $0xb8;
	[tilespmem:$0x1B000] =	vst v63  }
0x60: {  	s18 =	smul.u32 $0x240, s18;
	s4 =	sshrl.u32 s4, $0xB;
	s24 =	sshrl.u32 s24, $0xB  }
0x61: {  	[tilespmem:s2], [sflag:$0x3] =	stream.indirect.gather [spmem:s3], $0x40, s20, s17, $0xb8;
	[tilespmem:$0x1B000] =	vst v63  }
0x62: {  	s14 =	sshrl.u32 s14, $0xB;
	s28 =	smul.u32 $0x24, s4;
	s4 =	sadd.s32 $0x1, s12  }
0x63: {  	s18 =	sadd.s32 s29, s18;
	s29 =	smul.u32 $0x24, s24;
	s24 =	sadd.s32 s24, s9  }
0x64: {  	_ =	swait.ge [sflag:s26], $0x4000;
	s20 =	sand.u32 $0xFF, s4;
	s18 =	sor.u32 s22, s18  }
0x65: {  	s22 =	smul.u32 $0x900000, s24;
	[sflag:s26] =	ssyncset.done $0x0;
	s12 =	ssub.s32 s12, s28  }
0x66: {  	s7 =	ssub.s32 s7, s29;
	s18 =	sshrl.u32 s18, $0x3;
	s29 =	simm.s32 $0x13000  }
0x67: {  	[sflag:s26] =	ssyncadd.s32 $0xFFFFC000;
	s28 =	sshll.u32 s7, $0x4;
	s7 =	sshll.u32 s7, $0x8  }
0x68: {  	s26 =	simm.s32 $0xF000;
	s2 =	rddreg [dreg:$0x1];
	s7 =	sand.u32 $0x300, s7  }
0x69: {  	s24 =	sand.u32 $0x3C0, s28;
	s13 =	sadd.s32 s2, s13;
	s7 =	sor.u32 s8, s7  }
0x6a: {  	[hbm4b:s13+s31] =	stream.strided.scatter [tilespmem:s26], [sflag:$0x4], $0x4000, s1, s31, $0x38;
	[tilespmem:$0x1B000] =	vst v63  }
0x6b: {  	s18 =	sadd.s32 s2, s18;
	s13 =	sadd.s32 s14, s9;
	s7 =	smul.u32 $0x240, s7  }
0x6c: {  	s14 =	sshll.u32 s12, $0x8;
	s12 =	sshll.u32 s12, $0x4;
	s13 =	smul.u32 $0x900000, s13  }
0x6d: {  	s14 =	sand.u32 $0x300, s14;
	_ =	swait.ge [sflag:s0], $0x4000;
	s12 =	sand.u32 $0x3C0, s12  }
0x6e: {  	s14 =	sor.u32 s8, s14;
	[sflag:s0] =	ssyncset.done $0x0;
	s7 =	sadd.s32 s22, s7  }
0x6f: {  	s14 =	smul.u32 $0x240, s14;
	[sflag:s0] =	ssyncadd.s32 $0xFFFFC000;
	s7 =	sor.u32 s24, s7  }
0x70: {  	[hbm4b:s18+s31] =	stream.strided.scatter [tilespmem:s29], [sflag:$0x5], $0x4000, s1, s31, $0x38;
	[tilespmem:$0x1B000] =	vst v63  }
0x71: {  	s24 =	simm.s32 $0x11000;
	s13 =	sadd.s32 s13, s14;
	_ =	swait.ge [sflag:s19], $0x4000  }
0x72: {  	s14 =	sshrl.u32 s7, $0x3;
	s12 =	sor.u32 s12, s13;
	[sflag:s19] =	ssyncset.done $0x0  }
0x73: {  	s13 =	sshrl.u32 s12, $0x3;
	[sflag:s19] =	ssyncadd.s32 $0xFFFFC000;
	s12 =	sadd.s32 s2, s14  }
0x74: {  	[hbm4b:s12+s31] =	stream.strided.scatter [tilespmem:s30], [sflag:$0x6], $0x4000, s1, s31, $0x38;
	[tilespmem:$0x1B000] =	vst v63  }
0x75: {  	s18 =	smul.u32 $0x39, s20;
	s7 =	smov.u32 s16;
	_ =	swait.ge [sflag:s21], $0x4000  }
0x76: {  	s16 =	sshra.s32 s6, $0x2;
	s6 =	smov.u32 s15;
	[sflag:s21] =	ssyncset.done $0x0  }
0x77: {  	s15 =	sadd.s32 $0x8700, s16;
	s28 =	sadd.s32 $0x8900, s16;
	[sflag:s21] =	ssyncadd.s32 $0xFFFFC000  }
0x78: {  	[tilespmem:s26], [sflag:$0x1] =	stream.indirect.gather [spmem:s3], $0x40, s15, s17, $0xb8;
	[tilespmem:$0x1B000] =	vst v63  }
0x79: {  	s22 =	sadd.s32 $0x8780, s16;
	s20 =	sadd.s32 $0x8980, s16;
	s14 =	sand.u32 $0xFF, s11  }
0x7a: {  	[tilespmem:s24], [sflag:$0x1] =	stream.indirect.gather [spmem:s3], $0x40, s22, s17, $0xb8;
	[tilespmem:$0x1B000] =	vst v63  }
0x7b: {  	s30 =	sshrl.u32 s18, $0xB;
	s12 =	smul.u32 $0x3, s11;
	_ =	swait.ge [sflag:s23], $0x4000  }
0x7c: {  	s2 =	smul.u32 $0x24, s30;
	s18 =	sadd.s32 s30, s9;
	[sflag:s23] =	ssyncset.done $0x0  }
0x7d: {  	s30 =	simm.s32 $0x15000;
	s26 =	sadd.s32 $0x8800, s16;
	[sflag:s23] =	ssyncadd.s32 $0xFFFFC000  }
0x7e: {  	[tilespmem:s29], [sflag:$0x2] =	stream.indirect.gather [spmem:s3], $0x40, s26, s17, $0xb8;
	[tilespmem:$0x1B000] =	vst v63  }
.Ltmp0:
0x7f: {  	s24 =	sand.u32 $0xFF, s7;
	s22 =	ssub.s32 s4, s2;
	(pc) =	sbr.rel @p0 .LBB2_2-.Ltmp0, $4  }
0x80: {  	s4 =	sand.u32 $0xFF, s12;
	s15 =	sshll.u32 s22, $0x4;
	s26 =	sadd.s32 $0x8880, s16  }
0x81: {  	[tilespmem:s30], [sflag:$0x2] =	stream.indirect.gather [spmem:s3], $0x40, s26, s17, $0xb8;
	[tilespmem:$0x1B000] =	vst v63  }
0x82: {  	s29 =	smul.u32 $0x900000, s18;
	s18 =	sshll.u32 s22, $0x8;
	_ =	swait.ge [sflag:s25], $0x4000  }
0x83: {  	s16 =	sadd.s32 $0x2, s12;
	s18 =	sand.u32 $0x300, s18;
	[sflag:s25] =	ssyncset.done $0x0  }
0x84: {  	[sflag:s25] =	ssyncadd.s32 $0xFFFFC000;
	s22 =	simm.s32 $0x17000  }
0x85: {  	[tilespmem:s22], [sflag:$0x3] =	stream.indirect.gather [spmem:s3], $0x40, s28, s17, $0xb8;
	[tilespmem:$0x1B000] =	vst v63  }
0x86: {  	s26 =	simm.s32 $0x19000;
	s28 =	simm.s32 $0x1  }
0x87: {  	[tilespmem:s26], [sflag:$0x3] =	stream.indirect.gather [spmem:s3], $0x40, s20, s17, $0xb8;
	[tilespmem:$0x1B000] =	vst v63  }
0x88: {  	s10 =	sor.u32 s8, s18;
	s11 =	smul.u32 $0x39, s24;
	_ =	swait.ge [sflag:s28], $0x4000  }
0x89: {  	s10 =	smul.u32 $0x240, s10;
	[sflag:s28] =	ssyncset.done $0x0  }
0x8a: {  	s18 =	simm.s32 $0xF000;
	s2 =	sand.u32 $0x3C0, s15;
	[sflag:s28] =	ssyncadd.s32 $0xFFFFC000  }
0x8b: {  	s11 =	sshrl.u32 s11, $0xB;
	s10 =	sadd.s32 s29, s10;
	s20 =	rddreg [dreg:$0x1]  }
0x8c: {  	s15 =	smul.u32 $0x24, s11;
	s10 =	sor.u32 s2, s10;
	s13 =	sadd.s32 s20, s13  }
0x8d: {  	[hbm4b:s13+s31] =	stream.strided.scatter [tilespmem:s18], [sflag:$0x4], $0x4000, s1, s31, $0x38;
	[tilespmem:$0x1B000] =	vst v63  }
0x8e: {  	s10 =	sshrl.u32 s10, $0x3;
	_ =	swait.ge [sflag:s0], $0x4000  }
0x8f: {  	s7 =	ssub.s32 s7, s15;
	s15 =	simm.s32 $0x13000;
	[sflag:s0] =	ssyncset.done $0x0  }
0x90: {  	s24 =	sshll.u32 s7, $0x8;
	s10 =	sadd.s32 s20, s10;
	[sflag:s0] =	ssyncadd.s32 $0xFFFFC000  }
0x91: {  	[hbm4b:s10+s31] =	stream.strided.scatter [tilespmem:s15], [sflag:$0x5], $0x4000, s1, s31, $0x38;
	[tilespmem:$0x1B000] =	vst v63  }
0x92: {  	s11 =	sadd.s32 s11, s9;
	s10 =	sand.u32 $0x300, s24  }
0x93: {  	s11 =	smul.u32 $0x900000, s11;
	s10 =	sor.u32 s8, s10  }
0x94: {  	s10 =	smul.u32 $0x240, s10  }
0x95: {  	s7 =	sshll.u32 s7, $0x4  }
0x96: {  	s7 =	sand.u32 $0x3C0, s7;
	s10 =	sadd.s32 s11, s10  }
0x97: {  	_ =	swait.ge [sflag:s19], $0x4000;
	s7 =	sor.u32 s7, s10  }
0x98: {  	[sflag:s19] =	ssyncset.done $0x0;
	s7 =	sshrl.u32 s7, $0x3  }
0x99: {  	[sflag:s19] =	ssyncadd.s32 $0xFFFFC000;
	s7 =	sadd.s32 s20, s7  }
0x9a: {  	[hbm4b:s7+s31] =	stream.strided.scatter [tilespmem:s22], [sflag:$0x6], $0x4000, s1, s31, $0x38;
	[tilespmem:$0x1B000] =	vst v63  }
0x9b: {  	s4 =	smul.u32 $0x39, s4;
	_ =	swait.ge [sflag:s21], $0x4000  }
0x9c: {  	s6 =	sshra.s32 s6, $0x2;
	[sflag:s21] =	ssyncset.done $0x0  }
0x9d: {  	s4 =	sshrl.u32 s4, $0xB;
	s29 =	sadd.s32 $0x8700, s6;
	[sflag:s21] =	ssyncadd.s32 $0xFFFFC000  }
0x9e: {  	[tilespmem:s18], [sflag:$0x1] =	stream.indirect.gather [spmem:s3], $0x40, s29, s17, $0xb8;
	[tilespmem:$0x1B000] =	vst v63  }
0x9f: {  	s30 =	sadd.s32 $0x8780, s6;
	s4 =	smul.u32 $0x24, s4;
	s13 =	simm.s32 $0x11000  }
0xa0: {  	[tilespmem:s13], [sflag:$0x1] =	stream.indirect.gather [spmem:s3], $0x40, s30, s17, $0xb8;
	[tilespmem:$0x1B000] =	vst v63  }
0xa1: {  	s4 =	ssub.s32 s12, s4;
	_ =	swait.ge [sflag:s23], $0x4000  }
0xa2: {  	s2 =	sadd.s32 $0x8800, s6;
	s24 =	sshll.u32 s4, $0x8;
	[sflag:s23] =	ssyncset.done $0x0  }
0xa3: {  	s4 =	sshll.u32 s4, $0x4;
	s11 =	smul.u32 $0xAB, s14;
	[sflag:s23] =	ssyncadd.s32 $0xFFFFC000  }
0xa4: {  	[tilespmem:s15], [sflag:$0x2] =	stream.indirect.gather [spmem:s3], $0x40, s2, s17, $0xb8;
	[tilespmem:$0x1B000] =	vst v63  }
0xa5: {  	s10 =	sadd.s32 $0x8880, s6;
	s7 =	sshrl.u32 s11, $0xB;
	s2 =	simm.s32 $0x15000  }
0xa6: {  	[tilespmem:s2], [sflag:$0x2] =	stream.indirect.gather [spmem:s3], $0x40, s10, s17, $0xb8;
	[tilespmem:$0x1B000] =	vst v63  }
0xa7: {  	s14 =	sadd.s32 $0x8900, s6;
	s7 =	sadd.s32 s7, s9;
	_ =	swait.ge [sflag:s25], $0x4000  }
0xa8: {  	s7 =	smul.u32 $0x900000, s7;
	s10 =	sand.u32 $0x300, s24;
	[sflag:s25] =	ssyncset.done $0x0  }
0xa9: {  	s29 =	sadd.s32 $0x1, s12;
	s10 =	sor.u32 s8, s10;
	[sflag:s25] =	ssyncadd.s32 $0xFFFFC000  }
0xaa: {  	[tilespmem:s22], [sflag:$0x3] =	stream.indirect.gather [spmem:s3], $0x40, s14, s17, $0xb8;
	[tilespmem:$0x1B000] =	vst v63  }
0xab: {  	s6 =	sadd.s32 $0x8980, s6;
	s30 =	sand.u32 $0xFF, s29;
	s10 =	smul.u32 $0x240, s10  }
0xac: {  	[tilespmem:s26], [sflag:$0x3] =	stream.indirect.gather [spmem:s3], $0x40, s6, s17, $0xb8;
	[tilespmem:$0x1B000] =	vst v63  }
0xad: {  	s4 =	sand.u32 $0x3C0, s4;
	s7 =	sadd.s32 s7, s10;
	s6 =	smul.u32 $0x39, s30  }
0xae: {  	s4 =	sor.u32 s4, s7;
	_ =	swait.ge [sflag:s28], $0x4000  }
0xaf: {  	s4 =	sshrl.u32 s4, $0x3;
	s6 =	sshrl.u32 s6, $0xB;
	[sflag:s28] =	ssyncset.done $0x0  }
0xb0: {  	s4 =	sadd.s32 s20, s4;
	s12 =	smul.u32 $0x24, s6;
	[sflag:s28] =	ssyncadd.s32 $0xFFFFC000  }
0xb1: {  	[hbm4b:s4+s31] =	stream.strided.scatter [tilespmem:s18], [sflag:$0x4], $0x4000, s1, s31, $0x38;
	[tilespmem:$0x1B000] =	vst v63  }
0xb2: {  	s7 =	ssub.s32 s29, s12  }
0xb3: {  	s6 =	sadd.s32 s6, s9;
	s14 =	sshll.u32 s7, $0x8  }
0xb4: {  	s24 =	sand.u32 $0xFF, s16;
	s6 =	smul.u32 $0x900000, s6;
	s10 =	sand.u32 $0x300, s14  }
0xb5: {  	s4 =	smul.u32 $0x39, s24;
	s10 =	sor.u32 s8, s10  }
0xb6: {  	s10 =	smul.u32 $0x240, s10  }
0xb7: {  	s7 =	sshll.u32 s7, $0x4;
	s4 =	sshrl.u32 s4, $0xB  }
0xb8: {  	s7 =	sand.u32 $0x3C0, s7;
	s29 =	smul.u32 $0x24, s4;
	s6 =	sadd.s32 s6, s10  }
0xb9: {  	_ =	swait.ge [sflag:s0], $0x4000;
	s6 =	sor.u32 s7, s6  }
0xba: {  	[sflag:s0] =	ssyncset.done $0x0;
	s7 =	ssub.s32 s16, s29;
	s6 =	sshrl.u32 s6, $0x3  }
0xbb: {  	[sflag:s0] =	ssyncadd.s32 $0xFFFFC000;
	s30 =	sshll.u32 s7, $0x8;
	s6 =	sadd.s32 s20, s6  }
0xbc: {  	[hbm4b:s6+s31] =	stream.strided.scatter [tilespmem:s15], [sflag:$0x5], $0x4000, s1, s31, $0x38;
	[tilespmem:$0x1B000] =	vst v63  }
0xbd: {  	s4 =	sadd.s32 s4, s9;
	s6 =	sand.u32 $0x300, s30  }
0xbe: {  	s4 =	smul.u32 $0x900000, s4;
	s6 =	sor.u32 s8, s6  }
0xbf: {  	s6 =	smul.u32 $0x240, s6  }
0xc0: {  	s7 =	sshll.u32 s7, $0x4  }
0xc1: {  	s10 =	sand.u32 $0x3C0, s7;
	s4 =	sadd.s32 s4, s6  }
0xc2: {  	_ =	swait.ge [sflag:s19], $0x4000;
	s4 =	sor.u32 s10, s4  }
0xc3: {  	[sflag:s19] =	ssyncset.done $0x0;
	s4 =	sshrl.u32 s4, $0x3  }
0xc4: {  	[sflag:s19] =	ssyncadd.s32 $0xFFFFC000;
	s4 =	sadd.s32 s20, s4  }
0xc5: {  	[hbm4b:s4+s31] =	stream.strided.scatter [tilespmem:s22], [sflag:$0x6], $0x4000, s1, s31, $0x38;
	[tilespmem:$0x1B000] =	vst v63  }
0xc6: {  	_ =	swait.ge [sflag:s21], $0x4000  }
0xc7: {  	s11 =	sshra.s32 s5, $0x2;
	[sflag:s21] =	ssyncset.done $0x0  }
0xc8: {  	s5 =	sadd.s32 $0x8700, s11;
	[sflag:s21] =	ssyncadd.s32 $0xFFFFC000  }
0xc9: {  	[tilespmem:s18], [sflag:$0x1] =	stream.indirect.gather [spmem:s3], $0x40, s5, s17, $0xb8;
	[tilespmem:$0x1B000] =	vst v63  }
0xca: {  	s12 =	sadd.s32 $0x8780, s11  }
0xcb: {  	[tilespmem:s13], [sflag:$0x1] =	stream.indirect.gather [spmem:s3], $0x40, s12, s17, $0xb8;
	[tilespmem:$0x1B000] =	vst v63  }
0xcc: {  	_ =	swait.ge [sflag:s23], $0x4000  }
0xcd: {  	[sflag:s23] =	ssyncset.done $0x0  }
0xce: {  	s14 =	sadd.s32 $0x8800, s11;
	[sflag:s23] =	ssyncadd.s32 $0xFFFFC000  }
0xcf: {  	[tilespmem:s15], [sflag:$0x2] =	stream.indirect.gather [spmem:s3], $0x40, s14, s17, $0xb8;
	[tilespmem:$0x1B000] =	vst v63  }
0xd0: {  	s16 =	sadd.s32 $0x8880, s11  }
0xd1: {  	[tilespmem:s2], [sflag:$0x2] =	stream.indirect.gather [spmem:s3], $0x40, s16, s17, $0xb8;
	[tilespmem:$0x1B000] =	vst v63  }
0xd2: {  	_ =	swait.ge [sflag:s25], $0x4000  }
0xd3: {  	[sflag:s25] =	ssyncset.done $0x0  }
0xd4: {  	s20 =	sadd.s32 $0x8900, s11;
	[sflag:s25] =	ssyncadd.s32 $0xFFFFC000  }
0xd5: {  	[tilespmem:s22], [sflag:$0x3] =	stream.indirect.gather [spmem:s3], $0x40, s20, s17, $0xb8;
	[tilespmem:$0x1B000] =	vst v63  }
0xd6: {  	s4 =	sadd.s32 $0x8980, s11  }
0xd7: {  	[tilespmem:s26], [sflag:$0x3] =	stream.indirect.gather [spmem:s3], $0x40, s4, s17, $0xb8;
	[tilespmem:$0x1B000] =	vst v63  }
0xd8: {  	_ =	swait.ge [sflag:s28], $0x4000  }
0xd9: {  	[sflag:s28] =	ssyncset.done $0x0  }
0xda: {  	s24 =	rddreg [dreg:$0x7];
	[sflag:s28] =	ssyncadd.s32 $0xFFFFC000  }
0xdb: {  	[hbm4b:s24+s31] =	stream.strided.scatter [tilespmem:s18], [sflag:$0x4], $0x4000, s1, s31, $0x38;
	[tilespmem:$0x1B000] =	vst v63  }
0xdc: {  	_ =	swait.ge [sflag:s0], $0x4000  }
0xdd: {  	[sflag:s0] =	ssyncset.done $0x0  }
0xde: {  	s26 =	rddreg [dreg:$0x8];
	[sflag:s0] =	ssyncadd.s32 $0xFFFFC000  }
0xdf: {  	[hbm4b:s26+s31] =	stream.strided.scatter [tilespmem:s15], [sflag:$0x5], $0x4000, s1, s31, $0x38;
	[tilespmem:$0x1B000] =	vst v63  }
0xe0: {  	_ =	swait.ge [sflag:s19], $0x4000  }
0xe1: {  	[sflag:s19] =	ssyncset.done $0x0  }
0xe2: {  	s28 =	rddreg [dreg:$0x9];
	[sflag:s19] =	ssyncadd.s32 $0xFFFFC000  }
0xe3: {  	[hbm4b:s28+s31] =	stream.strided.scatter [tilespmem:s22], [sflag:$0x6], $0x4000, s1, s31, $0x38;
	[tilespmem:$0x1B000] =	vst v63  }
0xe4: {  	_ =	swait.ge [sflag:s21], $0x4000  }
0xe5: {  	[sflag:s21] =	ssyncset.done $0x0  }
0xe6: {  	[sflag:s21] =	ssyncadd.s32 $0xFFFFC000  }
0xe7: {  	_ =	swait.ge [sflag:s23], $0x4000  }
0xe8: {  	[sflag:s23] =	ssyncset.done $0x0  }
0xe9: {  	[sflag:s23] =	ssyncadd.s32 $0xFFFFC000  }
0xea: {  	_ =	swait.ge [sflag:s25], $0x4000  }
0xeb: {  	s29 =	rddreg [dreg:$0xc]  }
0xec: {  	s30 =	rddreg [dreg:$0xa];
	s2 =	sadd.s32 $0x1, s29  }
0xed: {  	p0 =	sne.s32 s2, s30  }
.Ltmp1:
0xee: {  	_ = 	snop;
	(pc) =	sbr.rel @p0 .LBB2_1-.Ltmp1, $3  }
0xef: {  	_ =	sdelay $0x1  }
0xf0: {  	[sflag:s25] =	ssyncset.done $0x0  }
0xf1: {  	[sflag:s25] =	ssyncadd.s32 $0xFFFFC000  }
0xf2: {  	_ =	sfence.sel $0x180000  }
0xf3: {  	[bflag:$0x0] =	sbarrier.arrive $0xFFFF  }
0xf4: {  	_ =	strace $0x90000047  }
0xf5: {  	s0 =	stileid.u32;
	[bflag:$0x2] =	sbarrier.arrive $0xFFFF  }
0xf6: {  	p0 =	sne.s32 s0, $0x0;
	s0 =	rddreg [dreg:$0x3]  }
0xf7: {  	s0 =	sadd.s32 @!p0 $0x100000, s0  }
0xf8: {  	[sflag:s0] =	ssyncadd.tile.s32 @!p0 $0x1;
	_ =	shalt  }
.Lfunc_end2:
_tile_overlayer_lowered:
.L_overlay_start_2:
0xf9: {  	(tag) =	ssettag $0x2  }
0xfa: {  	s0 =	rddreg [dreg:$0x0];
	s2 =	stileid.u32  }
0xfb: {  	s1 =	rddreg [dreg:$0x1];
	p0 =	sne.s32 s2, $0x0  }
0xfc: {  	s3 =	rddreg [dreg:$0x2];
	[bflag:$0x3] =	sbarrier.arrive $0xFFFF;
	s2 =	simm.s32 @!p0 $0x1C07  }
0xfd: {  	[timem:s3], [sflag:s2] =	dma.local @!p0 [hbm:s0], s1  }
0xfe: {  	s0 =	simm.s32 @!p0 $0x7  }
0xff: {  	_ =	swait.ge @!p0 [sflag:s0], s1  }
0x100: {  	s1 =	ssub.s32 @!p0 $0x0, s1;
	[sflag:s0] =	ssyncset.done @!p0 $0x0  }
0x101: {  	[sflag:s0] =	ssyncadd.s32 @!p0 s1  }
0x102: {  	[bflag:$0x3] =	sbarrier.arrive $0xFFFF  }
0x103: {  	_ =	shalt  }

// kernel: sparse-core-data-format-call.cloned.1.call-start
scs
called_computation_lowered:
.L_overlay_start_0:
0x0: {  	s2 =	sld [smem:$0x3FD9]  }
0x1: {  	s3 =	sld [smem:$0x3FFE];
	_ =	sdelay $0x1  }
0x2: {  	s1 =	srdreg.scid  }
0x3: {  	s0 =	sand.u32 $0x1, s1  }
0x4: {  	s15 =	sshll.u32 s0, $0xA;
	s2 =	sadd.s32 s3, s2  }
0x5: {  	s2 =	sadd.s32 s2, s15  }
0x6: {  	[smem:$0x3FC4] =	sst s2  }
0x7: {  	_ = 	snop  }
0x8: {  	s2 =	sld [smem:$0x3FD0];
	_ =	sdelay $0x2  }
0x9: {  	s16 =	simm.s32 $0xA;
	s4 =	simm.s32 $0x10  }
0xa: {  	[smem:s4], [sflag:s16] =	dma.local [hbm:s2], $0x1  }
0xb: {  	_ =	swait.eq [sflag:s16], $0x1  }
0xc: {  	[sflag:s16] =	ssyncset.done $0x0  }
0xd: {  	[sflag:s16] =	ssyncadd.s32 $0xFFFFFFFF  }
0xe: {  	s17 =	sld [smem:$0x10];
	(tm) =	ssettm $0x1  }
0xf: {  	s18 =	sld [smem:$0x3FFB];
	_ =	sdelay $0x3  }
0x10: {  	_ =	strace s18  }
0x11: {  	s3 =	sld [smem:$0x3FFC];
	_ =	sdelay $0x3  }
0x12: {  	_ =	strace s3  }
0x13: {  	s3 =	sld [smem:$0x3FFD];
	_ =	sdelay $0x3  }
0x14: {  	_ =	strace s3  }
0x15: {  	_ =	strace $0x8FFFFFFF  }
0x16: {  	s19 =	sld [smem:$0x3FDB];
	_ =	sdelay $0x1  }
0x17: {  	s20 =	simm.s32 $_scs_section_size  }
0x18: {  	s5 =	simm.s32 $_size__tile_overlayer_lowered;
	s6 =	simm.s32 $_tile_overlayer_lowered  }
0x19: {  	s23 =	simm.s32 $0x1BFF;
	s22 =	sshll.u32 s6, $0x1;
	s3 =	sadd.s32 s20, s19  }
0x1a: {  	s7 =	simm.s32 $0x0;
	s21 =	sshll.u32 s5, $0x1;
	s5 =	sadd.s32 s22, s3  }
0x1b: {  	[timem:s7], [sflag:s23] =	dma.local [hbm:s5], s21  }
0x1c: {  	_ =	swait.ge [sflag:s23], s21  }
0x1d: {  	s4 =	ssub.s32 $0x0, s21;
	[sflag:s23] =	ssyncset.done $0x0  }
0x1e: {  	[sflag:s23] =	ssyncadd.s32 s4;
	_ =	sdelay $0x1  }
0x1f: {  	s24 =	simm.s32 $0x1B8B  }
0x20: {  	_ =	swait.ge [sflag:s24], $0x1  }
0x21: {  	[sflag:s24] =	ssyncset.done $0x0  }
0x22: {  	s26 =	simm.s32 $0x1B8E;
	s25 =	sld [smem:$0x3FFE];
	[sflag:s24] =	ssyncadd.s32 $0xFFFFFFFF  }
0x23: {  	s27 =	simm.s32 $execute0_lowered;
	[smem:$0x3FD2] =	sst s26  }
0x24: {  	s5 =	sshll.u32 s27, $0x1;
	_ =	strace $0x80000049;
	[dreg:$0x1] =	wrdreg $0xFFFFFFFF  }
0x25: {  	s28 =	simm.s32 $_size_execute0_lowered;
	s3 =	sadd.s32 s3, s5;
	[dreg:$0x0] =	wrdreg $0x0  }
0x26: {  	s5 =	sshll.u32 s28, $0x1;
	[dreg:$0x2] =	wrdreg s3  }
0x27: {  	[dreg:$0x3] =	wrdreg s5  }
0x28: {  	[dreg:$0x4] =	wrdreg $0xC0  }
0x29: {  	_ =	task [dreg:s7], $0x5FFFF  }
0x2a: {  	[dreg:$0x1] =	wrdreg $0xFFFFFFFF  }
0x2b: {  	[dreg:$0x0] =	wrdreg $0x60  }
0x2c: {  	[dreg:$0x2] =	wrdreg s25  }
0x2d: {  	[dreg:$0x3] =	wrdreg s17  }
0x2e: {  	[dreg:$0x4] =	wrdreg $0x9  }
0x2f: {  	_ =	task.clear_ibuf [dreg:s7], $0x5FFFF;
	_ =	strace $0x90000049  }
0x30: {  	s29 =	simm.s32 $0x9;
	_ =	strace $0x8000004B  }
0x31: {  	_ =	swait.ge [sflag:s29], $0x1  }
0x32: {  	[sflag:s29] =	ssyncadd.s32 $0xFFFFFFFF  }
0x33: {  	_ =	strace $0x9000004B  }
0x34: {  	_ =	sfence  }
0x35: {  	s30 =	sld [smem:$0x0];
	_ =	sdelay $0x2  }
0x36: {  	s31 =	sshll.u32 s1, $0xD;
	s1 =	sshrl.u32 s1, $0x2  }
0x37: {  	s3 =	sand.u32 $0x4000, s31;
	s1 =	sadd.s32 s1, s30  }
0x38: {  	s0 =	sor.u32 s3, s0;
	s1 =	sshll.u32 s1, $0x11  }
0x39: {  	s0 =	sor.u32 s1, s0  }
0x3a: {  	s0 =	sadd.s32 $0x8F2B, s0  }
0x3b: {  	[sflag:s0] =	ssyncadd.remote.s32 $0x1  }
0x3c: {  	_ =	sfence.sel $0xFFFF  }
0x3d: {  	[dreg:$0x0] =	wrdreg $0xFFFFFFFF;
	(pc) =	sbr.abs _section_cstart, $3  }
0x3e: {  	[dreg:$0x1] =	wrdreg $0xFFFFFFFF  }
0x3f: {  	_ =	task.clear_ibuf [dreg:s7], $0x2FFFF;
	_ =	strace $0x9FFFFFFF  }
0x40: {  	(tm) =	ssettm $0x7FFFFFFF  }
0x41: {  	_ =	shalt  }
tec
execute0_lowered:
.L_overlay_start_1:
0x0: {  	(tag) =	ssettag $0x1  }
0x1: {  	s0 =	srdreg.scid  }
0x2: {  	s1 =	sshll.u32 s0, $0x4  }
0x3: {  	s6 =	rddreg [dreg:$0x0];
	s0 =	stileid.u32;
	s1 =	sand.u32 $0x10, s1  }
0x4: {  	s3 =	rddreg [dreg:$0x1];
	s1 =	sor.u32 s0, s1  }
0x5: {  	s5 =	simm.s32 $0x1;
	s31 =	simm.s32 $0x2;
	s2 =	sshll.u32 s1, $0x7  }
0x6: {  	s13 =	simm.s32 $0x0;
	s8 =	simm.s32 $0x20000;
	s4 =	ssub.s32 $0x4000, s2  }
0x7: {  	s14 =	simm.s32 $0x0;
	s15 =	simm.s32 $0x0;
	s30 =	sand.u32 $0xF80, s4  }
0x8: {  	s9 =	simm.s32 $0x0;
	s11 =	simm.s32 $0x0;
	p0 =	sne.s32 s30, $0x0  }
.Ltmp0:
0x9: {  	s7 =	sshrl.u32 s4, $0xC;
	s5 =	simm.s32 @!p0 $0x0;
	(pc) =	sbr.rel .LBB1_1-.Ltmp0, $4  }
0xa: {  	s12 =	simm.s32 $0x0;
	s1 =	rddreg [dreg:$0x2];
	s5 =	sadd.s32 s5, s7  }
0xb: {  	_ =	strace $0x8000004A;
	s4 =	simm.s32 $0x1;
	s5 =	smul.u32 $0x36, s5  }
0xc: {  	s6 =	sadd.s32 $0x1F200, s6;
	s10 =	smov.u32 s2;
	[sflag:s4] =	ssyncpa.u1 $0x0  }
0xd: {  	[sflag:s31] =	ssyncpa.u1 $0x0;
	p0 =	por $0x0, $0x0;
	s7 =	sor.u32 $0x1, s5  }
.LBB1_4:
0xe: {  	s15 =	smul.u32 $0x120000, s15  }
0xf: {  	s18 =	sshll.u32 s14, $0x3;
	s19 =	sand.u32 $0x78, s14;
	s30 =	sand.u32 $0x1F800, s14  }
0x10: {  	s13 =	sshll.u32 s13, $0x11;
	s18 =	sand.u32 $0x3C00, s18;
	s15 =	sadd.s32 s3, s15  }
0x11: {  	[tilespmem:s17+$0x810 ss:$0x81] =	vst.msk $0xffff, v2;
	s31 =	sand.u32 $0x7, s14;
	s18 =	sor.u32 s19, s18;
	s15 =	sadd.s32 s30, s15  }
0x12: {  	[tilespmem:s17+$0x1020 ss:$0x81] =	vst.msk $0xffff, v0;
	s14 =	sshll.u32 s31, $0x12;
	s18 =	sshrl.u32 s18, $0x3;
	s13 =	sadd.s32 s13, s15  }
0x13: {  	[tilespmem:s17+$0x0 ss:$0x81] =	vst.msk $0xffff, v1;
	s14 =	sor.u32 $0x400, s14;
	s13 =	sadd.s32 s18, s13  }
0x14: {  	[hbm4b:s13+s14] =	stream.strided.scatter [tilespmem:s16], [sflag:$0x2], $0x2000, s8, s14, $0x20;
	[tilespmem:$0x8080] =	vst v63  }
.LBB1_5:
0x15: {  	s16 =	sadd.s32 $0x1, s9  }
0x16: {  	s13 =	sadd.s32 $0x1000, s10;
	s17 =	smov.u32 s10;
	p2 =	sgt.s32 s16, $0x8  }
0x17: {  	s17 =	smov.u32 @p2 s13  }
0x18: {  	s13 =	simm.s32 $0x1;
	p3 =	sgt.s32 s17, $0x3FFF  }
0x19: {  	s13 =	simm.s32 @!p3 $0x0  }
0x1a: {  	s19 =	sadd.s32 s13, s11  }
0x1b: {  	s16 =	simm.s32 @p2 $0x0;
	p2 =	sgt.s32 s19, $0x5  }
0x1c: {  	p1 =	slt.u32 s12, $0x2;
	s19 =	simm.s32 @p2 $0x0;
	p2 =	sne.s32 s12, s7  }
.Ltmp1:
0x1d: {  	s18 =	simm.s32 @!p1 $0x2;
	(pc) =	sbr.rel @!p2 .LBB1_6-.Ltmp1, $4  }
0x1e: {  	s14 =	smov.u32 s10;
	s15 =	smov.u32 s11;
	_ =	swait.ge @!p1 [sflag:s18], $0x2000  }
0x1f: {  	p0 =	por !p0, !p0;
	[sflag:s18] =	ssyncset.done @!p1 $0x0;
	s17 =	smov.u32 @p3 s2  }
0x20: {  	[sflag:s18] =	ssyncadd.s32 @!p1 $0xFFFFE000;
	s13 =	smov.u32 s9;
	s9 =	smov.u32 s16  }
0x21: {  	s10 =	smov.u32 s17;
	s12 =	sadd.s32 $0x1, s12;
	s11 =	smov.u32 s19  }
.LBB1_1:
0x22: {  	p1 =	sge.u32 s12, s5;
	s31 =	sadd.s32 $0xFFFFFFFF, s12  }
0x23: {  	s16 =	sxor.u32 @!p1 $0xFFFFFFFF, s12;
	s17 =	sshll.u32 @!p1 s11, $0x16;
	s18 =	sshll.u32 @!p1 s10, $0x8  }
0x24: {  	s19 =	sshll.u32 @!p1 s9, $0x4;
	s16 =	sshll.u32 @!p1 s16, $0xD;
	s17 =	sadd.s32 @!p1 s6, s17  }
0x25: {  	s19 =	sand.u32 @!p1 $0xF0, s19;
	s16 =	sand.u32 @!p1 $0x2000, s16;
	s17 =	sadd.s32 @!p1 s18, s17  }
0x26: {  	s18 =	simm.s32 @!p1 $0x40;
	s17 =	sadd.s32 @!p1 s19, s17;
	s19 =	simm.s32 @!p1 $0x800  }
0x27: {  	[tilespmem:s16], [sflag:$0x1] =	stream.strided.gather @!p1 [hbm4b:s17+s18], $0x2000, s19, s18, $0x38;
	[tilespmem:$0x8080] =	vst v63  }
0x28: {  	p1 =	sge.u32 s31, s5  }
.Ltmp2:
0x29: {  	_ = 	snop;
	(pc) =	sbr.rel @p1 .LBB1_5-.Ltmp2, $1  }
0x2a: {  	_ =	sdelay $0x3  }
0x2b: {  	s16 =	simm.s32 $0x1  }
0x2c: {  	_ =	swait.ge [sflag:s4], $0x2000;
	s16 =	simm.s32 @!p0 $0x0  }
0x2d: {  	[sflag:s4] =	ssyncset.done $0x0;
	s17 =	sshll.u32 s16, $0xD  }
0x2e: {  	[sflag:s4] =	ssyncadd.s32 $0xFFFFE000;
	s20 =	sor.u32 $0x20, s17  }
0x2f: {  	s16 =	smul.u32 $0x8100, s16;
	v3 =	vld [tilespmem:s20+$0x10]  }
0x30: {  	s30 =	sand.u32 $0x1, s12;
	v2 =	vld [tilespmem:s20+$0xFFFFFFF0]  }
0x31: {  	s17 =	smul.u32 $0x8100, s30;
	s16 =	sshrl.u32 s16, $0x2;
	v0 =	vld [tilespmem:s20+$0x0]  }
0x32: {  	v1 =	vld [tilespmem:s20+$0xFFFFFFE0];
	s18 =	sor.u32 $0x4000, s16  }
0x33: {  	s31 =	sshrl.u32 s17, $0x2;
	s17 =	sadd.s32 $0x0, s18  }
0x34: {  	s19 =	simm.s32 $0x4;
	s20 =	sadd.s32 $0x40, s20;
	s16 =	sor.u32 $0x4000, s31;
	[tilespmem:s17+$0x1830 ss:$0x81] =	vst.msk $0xffff, v3  }
.LBB1_3:
0x35: {  	v3 =	vld [tilespmem:s20+$0x10];
	p1 =	sne.s32 s19, $0x1FC;
	[tilespmem:s17+$0x810 ss:$0x81] =	vst.msk $0xffff, v2;
	s21 =	smov.u32 s19;
	s19 =	sadd.s32 $0x4, s19  }
.Ltmp3:
0x36: {  	v2 =	vld [tilespmem:s20+$0xFFFFFFF0];
	[tilespmem:s17+$0x1020 ss:$0x81] =	vst.msk $0xffff, v0;
	(pc) =	sbr.rel @p1 .LBB1_3-.Ltmp3, $4  }
0x37: {  	v0 =	vld [tilespmem:s20+$0x0];
	[tilespmem:s17+$0x0 ss:$0x81] =	vst.msk $0xffff, v1  }
0x38: {  	s17 =	sshra.s32 s21, $0x2;
	v1 =	vld [tilespmem:s20+$0xFFFFFFE0]  }
0x39: {  	s17 =	sadd.s32 s17, s18  }
0x3a: {  	s20 =	sadd.s32 $0x40, s20;
	[tilespmem:s17+$0x1830 ss:$0x81] =	vst.msk $0xffff, v3  }
.Ltmp4:
0x3b: {  	_ = 	snop;
	(pc) =	sbr.rel .LBB1_4-.Ltmp4, $1  }
0x3c: {  	_ =	sdelay $0x3  }
.LBB1_6:
0x3d: {  	_ =	sfence.sel $0x180000  }
0x3e: {  	s2 =	simm.s32 $0x1;
	[bflag:$0x0] =	sbarrier.arrive $0xFFFF  }
0x3f: {  	s31 =	simm.s32 $0x2;
	[sflag:s2] =	ssyncpa.u1 $0x1  }
0x40: {  	[sflag:s31] =	ssyncpa.u1 $0x1  }
0x41: {  	p0 =	sne.s32 s0, $0x0;
	_ =	strace $0x9000004A  }
0x42: {  	s0 =	sadd.s32 @!p0 $0x100000, s1;
	[bflag:$0x2] =	sbarrier.arrive $0xFFFF  }
0x43: {  	[sflag:s0] =	ssyncadd.tile.s32 @!p0 $0x1;
	_ =	shalt  }
.Lfunc_end1:
_tile_overlayer_lowered:
.L_overlay_start_2:
0x44: {  	(tag) =	ssettag $0x2  }
0x45: {  	s0 =	rddreg [dreg:$0x0];
	s2 =	stileid.u32  }
0x46: {  	s1 =	rddreg [dreg:$0x1];
	p0 =	sne.s32 s2, $0x0  }
0x47: {  	s3 =	rddreg [dreg:$0x2];
	[bflag:$0x3] =	sbarrier.arrive $0xFFFF;
	s2 =	simm.s32 @!p0 $0x1C01  }
0x48: {  	[timem:s3], [sflag:s2] =	dma.local @!p0 [hbm:s0], s1  }
0x49: {  	s0 =	simm.s32 @!p0 $0x1  }
0x4a: {  	_ =	swait.ge @!p0 [sflag:s0], s1  }
0x4b: {  	s1 =	ssub.s32 @!p0 $0x0, s1;
	[sflag:s0] =	ssyncset.done @!p0 $0x0  }
0x4c: {  	[sflag:s0] =	ssyncadd.s32 @!p0 s1  }
0x4d: {  	[bflag:$0x3] =	sbarrier.arrive $0xFFFF  }
0x4e: {  	_ =	shalt  }

</sc_bundles>
